<compile_context>
chip_gen: v7x
topology: tpu7x:2x2x1
jax: 0.10.2.dev20260603
libtpu: 0.0.44.dev20260713+nightly
codegen_flags: <defaults>
</compile_context>

<pallas_src>
import functools

import jax
import jax.numpy as jnp
import numpy as np
from jax import lax
from jax.experimental import pallas as pl
from jax.experimental.pallas import tpu as pltpu
from jax.experimental.pallas import tpu_sc as plsc

D_MODEL = 128
MAX_LEN = 512

_NUM_CORES = 2
_NUM_SUBCORES = 16
_NUM_WORKERS = _NUM_CORES * _NUM_SUBCORES

_CHUNK = 128


def _position_indices(shapes):
    D = shapes[0][1] - 1
    idx_list = []
    for s in shapes:
        t = s[1] - 1
        indices = np.concatenate(
            [np.zeros([1]), np.linspace(1, D, t).astype(np.int32)]
        )
        idx_list.append(indices.astype(np.int64))
    return np.concatenate(idx_list, axis=0).astype(np.int32)


def _make_sc_gather(total: int, batch: int):
    stride = -(-total // _NUM_WORKERS)
    stride = stride + (-stride % 8)
    n_main = total // stride
    tail = total - n_main * stride
    rows_pad = stride + tail + (-(stride + tail) % 8)
    n_tail_workers = _NUM_WORKERS - n_main
    per_tail = -(-batch // n_tail_workers) if (tail and n_tail_workers) else 0

    mesh = plsc.VectorSubcoreMesh(
        core_axis_name="c", subcore_axis_name="s",
        num_cores=_NUM_CORES, num_subcores=_NUM_SUBCORES,
    )

    scratch = [
        pltpu.VMEM((rows_pad,), jnp.int32),
        pltpu.VMEM((rows_pad, D_MODEL), jnp.float32),
        pltpu.SemaphoreType.DMA,
        pltpu.SemaphoreType.DMA,
    ]

    @functools.partial(
        pl.kernel,
        out_type=jax.ShapeDtypeStruct((batch, total, D_MODEL), jnp.float32),
        mesh=mesh,
        scratch_types=scratch,
    )
    def sc_kernel(idx_hbm, emb_hbm, out_hbm, idx_v, rows_v, gsem, ssem):
        wid = lax.axis_index("s") * _NUM_CORES + lax.axis_index("c")
        base = pl.multiple_of(
            jnp.minimum(wid, n_main - 1) * stride, stride)
        pltpu.sync_copy(idx_hbm.at[wid], idx_v)
        pltpu.async_copy(emb_hbm.at[idx_v], rows_v, gsem).wait()

        @pl.when(wid < n_main)
        def _main():
            copies = []
            for b in range(batch):
                copies.append(pltpu.async_copy(
                    rows_v.at[pl.ds(0, stride)],
                    out_hbm.at[b, pl.ds(base, stride)],
                    ssem,
                ))
            for cp in copies:
                cp.wait()

        if tail:
            @pl.when(wid >= n_main)
            def _tail():
                tb = (wid - n_main) * per_tail
                copies = []
                for i in range(per_tail):
                    b = jnp.minimum(tb + i, batch - 1)
                    copies.append(pltpu.async_copy(
                        rows_v.at[pl.ds(stride, tail)],
                        out_hbm.at[b, pl.ds(n_main * stride, tail)],
                        ssem,
                    ))
                for cp in copies:
                    cp.wait()

    return sc_kernel


def kernel(modal_feat_0, modal_feat_1, modal_feat_2, emb):
    shapes = [modal_feat_0.shape, modal_feat_1.shape, modal_feat_2.shape]
    batch = shapes[0][0]
    idx = _position_indices(shapes)
    total = idx.shape[0]

    stride = -(-total // _NUM_WORKERS)
    stride = stride + (-stride % 8)
    n_main = total // stride
    tail = total - n_main * stride
    rows_pad = stride + tail + (-(stride + tail) % 8)
    assert tail == 0 or n_main < _NUM_WORKERS
    idx_chunks = np.zeros((_NUM_WORKERS, rows_pad), np.int32)
    for w in range(_NUM_WORKERS):
        base = min(w, n_main - 1) * stride
        idx_chunks[w, :stride] = idx[base: base + stride]
        if tail:
            idx_chunks[w, stride: stride + tail] = idx[n_main * stride:]

    sc_gather = _make_sc_gather(total, batch)
    return sc_gather(jnp.asarray(idx_chunks), emb)

# --- scband reference (transcript-rebuilt; emitter-appended) ---
"""Pipeline reference for scband-temporal-embedding-21749714387280 (READ-ONLY COPY).

The authoritative reference and input builder live on the scoring server;
editing this copy changes nothing except your own understanding.
"""

import jax, jax.numpy as jnp
import numpy as np

D_MODEL = 128
MAX_LEN = 512


def _build_indices(shapes):
    # shapes: list of (B, T+1, E); separate=False branch of TemporalEmbedding.forward
    D = shapes[0][1] - 1
    idx_list = []
    for s in shapes:
        t = s[1] - 1
        indices = np.concatenate([np.zeros([1]), np.linspace(1, D, t).astype(np.int32)])
        idx_list.append(indices.astype(np.int64))
    return np.concatenate(idx_list, axis=0)[None, :]  # [1, total]


def setup_inputs(seed: int = 0) -> dict:
    key = jax.random.key(seed)
    k0, k1, k2, k3 = jax.random.split(key, 4)
    modal_feat_0 = jax.random.normal(k0, (32, 512, D_MODEL), dtype=jnp.float32)
    modal_feat_1 = jax.random.normal(k1, (32, 257, D_MODEL), dtype=jnp.float32)
    modal_feat_2 = jax.random.normal(k2, (32, 129, D_MODEL), dtype=jnp.float32)
    # learned positional embedding table (nn.Embedding(max_len, d_model))
    emb = jax.random.normal(k3, (MAX_LEN, D_MODEL), dtype=jnp.float32)
    return {
        "modal_feat_0": modal_feat_0,
        "modal_feat_1": modal_feat_1,
        "modal_feat_2": modal_feat_2,
        "emb": emb,
    }


def reference(modal_feat_0, modal_feat_1, modal_feat_2, emb):
    modal_feats = [modal_feat_0, modal_feat_1, modal_feat_2]
    batch_size = modal_feats[0].shape[0]
    idx = _build_indices([m.shape for m in modal_feats])  # static, from shapes only
    idx = jnp.asarray(idx)  # [1, total]
    temp_emb = jnp.take(emb, idx, axis=0)  # [1, total, d_model] gather
    out = jnp.broadcast_to(temp_emb, (batch_size, temp_emb.shape[1], temp_emb.shape[2]))
    return out

if __name__ == "__main__":
    import jax
    _d = setup_inputs()
    print(jax.jit(kernel)(*tuple(_d.values())))

</pallas_src>

<mosaic_0001>
#map = affine_map<(d0, d1) -> (0, 0)>
#map1 = affine_map<(d0, d1) -> (0, 0, 0)>
module attributes {stable_mosaic.version = 14 : i64} {
  func.func @sc_kernel(%arg0: i32, %arg1: i32, %arg2: memref<32x40xi32, #tpu.memory_space<hbm>>, %arg3: memref<512x128xf32, #tpu.memory_space<hbm>>, %arg4: memref<32x898x128xf32, #tpu.memory_space<hbm>>, %arg5: memref<40xi32, #tpu.memory_space<vmem>>, %arg6: memref<40x128xf32, #tpu.memory_space<vmem>>, %arg7: memref<!tpu.dma_semaphore, #tpu.memory_space<semaphore_mem>>, %arg8: memref<!tpu.dma_semaphore, #tpu.memory_space<semaphore_mem>>) attributes {dimension_semantics = [#tpu.dimension_semantics<core_parallel>, #tpu.dimension_semantics<subcore_parallel>], iteration_bounds = array<i64: 2, 16>, scalar_prefetch = 0 : i64, scratch_operands = 4 : i64, tpu.core_type = #tpu.core_type<sc_vector_subcore>, window_params = [{transform_indices = #map}, {transform_indices = #map}, {transform_indices = #map1}]} {
    %mul3A = arith.constant 2 : i32
    %mul3A_0 = arith.muli %arg1, %mul3A : i32
    %add3A = arith.addi %mul3A_0, %arg0 : i32
    %min3A = arith.constant 27 : i32
    %min3A_1 = arith.minsi %add3A, %min3A : i32
    %mul3A_2 = arith.constant 32 : i32
    %mul3A_3 = arith.muli %min3A_1, %mul3A_2 : i32
    %multiple_of3A = tpu.assume_multiple %mul3A_3, 32 : i32
    "tpu.region"() ({
      %run_scoped3A = tpu.sem_alloc : memref<!tpu.dma_semaphore, #tpu.memory_space<semaphore_mem>>
      %dma_start3A_14 = arith.constant 0 : i32
      %dma_start3A_15 = tpu.memref_slice %arg2[%add3A, %dma_start3A_14] : memref<32x40xi32, #tpu.memory_space<hbm>> -> memref<1x40xi32, #tpu.memory_space<hbm>>
      %dma_start3A_16 = tpu.memref_squeeze %dma_start3A_15 : memref<1x40xi32, #tpu.memory_space<hbm>> -> memref<40xi32, #tpu.memory_space<hbm>>
      %dma_start3A_17 = arith.constant 0 : i32
      %dma_start3A_18 = tpu.memref_slice %arg2[%add3A, %dma_start3A_17] : memref<32x40xi32, #tpu.memory_space<hbm>> -> memref<1x40xi32, #tpu.memory_space<hbm>>
      %dma_start3A_19 = tpu.memref_squeeze %dma_start3A_18 : memref<1x40xi32, #tpu.memory_space<hbm>> -> memref<40xi32, #tpu.memory_space<hbm>>
      tpu.enqueue_dma source(%dma_start3A_19 : memref<40xi32, #tpu.memory_space<hbm>>) target(%arg5 : memref<40xi32, #tpu.memory_space<vmem>>) target_semaphore(%run_scoped3A : memref<!tpu.dma_semaphore, #tpu.memory_space<semaphore_mem>>)
      %dma_wait3A_20 = arith.constant 0 : i32
      %dma_wait3A_21 = tpu.memref_slice %arg2[%add3A, %dma_wait3A_20] : memref<32x40xi32, #tpu.memory_space<hbm>> -> memref<1x40xi32, #tpu.memory_space<hbm>>
      %dma_wait3A_22 = tpu.memref_squeeze %dma_wait3A_21 : memref<1x40xi32, #tpu.memory_space<hbm>> -> memref<40xi32, #tpu.memory_space<hbm>>
      %dma_wait3A_23 = arith.constant 0 : i32
      %dma_wait3A_24 = tpu.memref_slice %arg2[%add3A, %dma_wait3A_23] : memref<32x40xi32, #tpu.memory_space<hbm>> -> memref<1x40xi32, #tpu.memory_space<hbm>>
      %dma_wait3A_25 = tpu.memref_squeeze %dma_wait3A_24 : memref<1x40xi32, #tpu.memory_space<hbm>> -> memref<40xi32, #tpu.memory_space<hbm>>
      tpu.wait_dma2 semaphore(%run_scoped3A : memref<!tpu.dma_semaphore, #tpu.memory_space<semaphore_mem>>) src(%dma_wait3A_25 : memref<40xi32, #tpu.memory_space<hbm>>) dst(%arg5 : memref<40xi32, #tpu.memory_space<vmem>>)
      tpu.yield
    }) : () -> ()
    %dma_start3A = arith.constant 0 : i32
    %dma_start3A_4 = arith.constant 0 : i32
    %dma_start3A_5 = tpu.memref_slice %arg3[%dma_start3A, %dma_start3A_4] : memref<512x128xf32, #tpu.memory_space<hbm>> -> memref<512x128xf32, #tpu.memory_space<hbm>>
    tpu.enqueue_indirect_dma source(%dma_start3A_5 : memref<512x128xf32, #tpu.memory_space<hbm>>) target(%arg6 : memref<40x128xf32, #tpu.memory_space<vmem>>) offsets(%arg5 : memref<40xi32, #tpu.memory_space<vmem>>) semaphore(%arg7 : memref<!tpu.dma_semaphore, #tpu.memory_space<semaphore_mem>>)
    %dma_wait3A = arith.constant 0 : i32
    %dma_wait3A_6 = arith.constant 0 : i32
    %dma_wait3A_7 = tpu.memref_slice %arg3[%dma_wait3A, %dma_wait3A_6] : memref<512x128xf32, #tpu.memory_space<hbm>> -> memref<512x128xf32, #tpu.memory_space<hbm>>
    tpu.wait_indirect_dma semaphore(%arg7 : memref<!tpu.dma_semaphore, #tpu.memory_space<semaphore_mem>>) src(%dma_wait3A_7 : memref<512x128xf32, #tpu.memory_space<hbm>>) dst(%arg6 : memref<40x128xf32, #tpu.memory_space<vmem>>)
    %lt3A = arith.constant 28 : i32
    %lt3A_8 = arith.cmpi slt, %add3A, %lt3A : i32
    %convert_element_type3A = arith.extui %lt3A_8 : i1 to i32
    %cond3A = arith.constant 0 : i32
    %cond3A_9 = arith.cmpi ne, %convert_element_type3A, %cond3A : i32
    scf.if %cond3A_9 {
      %dma_start3A_14 = arith.constant 0 : i32
      %dma_start3A_15 = arith.constant 0 : i32
      %dma_start3A_16 = arith.constant 0 : i32
      %dma_start3A_17 = tpu.memref_slice %arg6[%dma_start3A_15, %dma_start3A_16] : memref<40x128xf32, #tpu.memory_space<vmem>> -> memref<32x128xf32, #tpu.memory_space<vmem>>
      %dma_start3A_18 = arith.constant 0 : i32
      %dma_start3A_19 = tpu.memref_slice %arg4[%dma_start3A_14, %multiple_of3A, %dma_start3A_18] : memref<32x898x128xf32, #tpu.memory_space<hbm>> -> memref<1x32x128xf32, #tpu.memory_space<hbm>>
      %dma_start3A_20 = tpu.memref_squeeze %dma_start3A_19 : memref<1x32x128xf32, #tpu.memory_space<hbm>> -> memref<32x128xf32, #tpu.memory_space<hbm>>
      %dma_start3A_21 = arith.constant 0 : i32
      %dma_start3A_22 = tpu.memref_slice %arg4[%dma_start3A_14, %multiple_of3A, %dma_start3A_21] : memref<32x898x128xf32, #tpu.memory_space<hbm>> -> memref<1x32x128xf32, #tpu.memory_space<hbm>>
      %dma_start3A_23 = tpu.memref_squeeze %dma_start3A_22 : memref<1x32x128xf32, #tpu.memory_space<hbm>> -> memref<32x128xf32, #tpu.memory_space<hbm>>
      %dma_start3A_24 = arith.constant 0 : i32
      %dma_start3A_25 = arith.constant 0 : i32
      %dma_start3A_26 = tpu.memref_slice %arg6[%dma_start3A_24, %dma_start3A_25] : memref<40x128xf32, #tpu.memory_space<vmem>> -> memref<32x128xf32, #tpu.memory_space<vmem>>
      tpu.enqueue_dma source(%dma_start3A_26 : memref<32x128xf32, #tpu.memory_space<vmem>>) target(%dma_start3A_23 : memref<32x128xf32, #tpu.memory_space<hbm>>) target_semaphore(%arg8 : memref<!tpu.dma_semaphore, #tpu.memory_space<semaphore_mem>>)
      %dma_start3A_27 = arith.constant 1 : i32
      %dma_start3A_28 = arith.constant 0 : i32
      %dma_start3A_29 = arith.constant 0 : i32
      %dma_start3A_30 = tpu.memref_slice %arg6[%dma_start3A_28, %dma_start3A_29] : memref<40x128xf32, #tpu.memory_space<vmem>> -> memref<32x128xf32, #tpu.memory_space<vmem>>
      %dma_start3A_31 = arith.constant 0 : i32
      %dma_start3A_32 = tpu.memref_slice %arg4[%dma_start3A_27, %multiple_of3A, %dma_start3A_31] : memref<32x898x128xf32, #tpu.memory_space<hbm>> -> memref<1x32x128xf32, #tpu.memory_space<hbm>>
      %dma_start3A_33 = tpu.memref_squeeze %dma_start3A_32 : memref<1x32x128xf32, #tpu.memory_space<hbm>> -> memref<32x128xf32, #tpu.memory_space<hbm>>
      %dma_start3A_34 = arith.constant 0 : i32
      %dma_start3A_35 = tpu.memref_slice %arg4[%dma_start3A_27, %multiple_of3A, %dma_start3A_34] : memref<32x898x128xf32, #tpu.memory_space<hbm>> -> memref<1x32x128xf32, #tpu.memory_space<hbm>>
      %dma_start3A_36 = tpu.memref_squeeze %dma_start3A_35 : memref<1x32x128xf32, #tpu.memory_space<hbm>> -> memref<32x128xf32, #tpu.memory_space<hbm>>
      %dma_start3A_37 = arith.constant 0 : i32
      %dma_start3A_38 = arith.constant 0 : i32
      %dma_start3A_39 = tpu.memref_slice %arg6[%dma_start3A_37, %dma_start3A_38] : memref<40x128xf32, #tpu.memory_space<vmem>> -> memref<32x128xf32, #tpu.memory_space<vmem>>
      tpu.enqueue_dma source(%dma_start3A_39 : memref<32x128xf32, #tpu.memory_space<vmem>>) target(%dma_start3A_36 : memref<32x128xf32, #tpu.memory_space<hbm>>) target_semaphore(%arg8 : memref<!tpu.dma_semaphore, #tpu.memory_space<semaphore_mem>>)
      %dma_start3A_40 = arith.constant 2 : i32
      %dma_start3A_41 = arith.constant 0 : i32
      %dma_start3A_42 = arith.constant 0 : i32
      %dma_start3A_43 = tpu.memref_slice %arg6[%dma_start3A_41, %dma_start3A_42] : memref<40x128xf32, #tpu.memory_space<vmem>> -> memref<32x128xf32, #tpu.memory_space<vmem>>
      %dma_start3A_44 = arith.constant 0 : i32
      %dma_start3A_45 = tpu.memref_slice %arg4[%dma_start3A_40, %multiple_of3A, %dma_start3A_44] : memref<32x898x128xf32, #tpu.memory_space<hbm>> -> memref<1x32x128xf32, #tpu.memory_space<hbm>>
      %dma_start3A_46 = tpu.memref_squeeze %dma_start3A_45 : memref<1x32x128xf32, #tpu.memory_space<hbm>> -> memref<32x128xf32, #tpu.memory_space<hbm>>
      %dma_start3A_47 = arith.constant 0 : i32
      %dma_start3A_48 = tpu.memref_slice %arg4[%dma_start3A_40, %multiple_of3A, %dma_start3A_47] : memref<32x898x128xf32, #tpu.memory_space<hbm>> -> memref<1x32x128xf32, #tpu.memory_space<hbm>>
      %dma_start3A_49 = tpu.memref_squeeze %dma_start3A_48 : memref<1x32x128xf32, #tpu.memory_space<hbm>> -> memref<32x128xf32, #tpu.memory_space<hbm>>
      %dma_start3A_50 = arith.constant 0 : i32
      %dma_start3A_51 = arith.constant 0 : i32
      %dma_start3A_52 = tpu.memref_slice %arg6[%dma_start3A_50, %dma_start3A_51] : memref<40x128xf32, #tpu.memory_space<vmem>> -> memref<32x128xf32, #tpu.memory_space<vmem>>
      tpu.enqueue_dma source(%dma_start3A_52 : memref<32x128xf32, #tpu.memory_space<vmem>>) target(%dma_start3A_49 : memref<32x128xf32, #tpu.memory_space<hbm>>) target_semaphore(%arg8 : memref<!tpu.dma_semaphore, #tpu.memory_space<semaphore_mem>>)
      %dma_start3A_53 = arith.constant 3 : i32
      %dma_start3A_54 = arith.constant 0 : i32
      %dma_start3A_55 = arith.constant 0 : i32
      %dma_start3A_56 = tpu.memref_slice %arg6[%dma_start3A_54, %dma_start3A_55] : memref<40x128xf32, #tpu.memory_space<vmem>> -> memref<32x128xf32, #tpu.memory_space<vmem>>
      %dma_start3A_57 = arith.constant 0 : i32
      %dma_start3A_58 = tpu.memref_slice %arg4[%dma_start3A_53, %multiple_of3A, %dma_start3A_57] : memref<32x898x128xf32, #tpu.memory_space<hbm>> -> memref<1x32x128xf32, #tpu.memory_space<hbm>>
      %dma_start3A_59 = tpu.memref_squeeze %dma_start3A_58 : memref<1x32x128xf32, #tpu.memory_space<hbm>> -> memref<32x128xf32, #tpu.memory_space<hbm>>
      %dma_start3A_60 = arith.constant 0 : i32
      %dma_start3A_61 = tpu.memref_slice %arg4[%dma_start3A_53, %multiple_of3A, %dma_start3A_60] : memref<32x898x128xf32, #tpu.memory_space<hbm>> -> memref<1x32x128xf32, #tpu.memory_space<hbm>>
      %dma_start3A_62 = tpu.memref_squeeze %dma_start3A_61 : memref<1x32x128xf32, #tpu.memory_space<hbm>> -> memref<32x128xf32, #tpu.memory_space<hbm>>
      %dma_start3A_63 = arith.constant 0 : i32
      %dma_start3A_64 = arith.constant 0 : i32
      %dma_start3A_65 = tpu.memref_slice %arg6[%dma_start3A_63, %dma_start3A_64] : memref<40x128xf32, #tpu.memory_space<vmem>> -> memref<32x128xf32, #tpu.memory_space<vmem>>
      tpu.enqueue_dma source(%dma_start3A_65 : memref<32x128xf32, #tpu.memory_space<vmem>>) target(%dma_start3A_62 : memref<32x128xf32, #tpu.memory_space<hbm>>) target_semaphore(%arg8 : memref<!tpu.dma_semaphore, #tpu.memory_space<semaphore_mem>>)
      %dma_start3A_66 = arith.constant 4 : i32
      %dma_start3A_67 = arith.constant 0 : i32
      %dma_start3A_68 = arith.constant 0 : i32
      %dma_start3A_69 = tpu.memref_slice %arg6[%dma_start3A_67, %dma_start3A_68] : memref<40x128xf32, #tpu.memory_space<vmem>> -> memref<32x128xf32, #tpu.memory_space<vmem>>
      %dma_start3A_70 = arith.constant 0 : i32
      %dma_start3A_71 = tpu.memref_slice %arg4[%dma_start3A_66, %multiple_of3A, %dma_start3A_70] : memref<32x898x128xf32, #tpu.memory_space<hbm>> -> memref<1x32x128xf32, #tpu.memory_space<hbm>>
      %dma_start3A_72 = tpu.memref_squeeze %dma_start3A_71 : memref<1x32x128xf32, #tpu.memory_space<hbm>> -> memref<32x128xf32, #tpu.memory_space<hbm>>
      %dma_start3A_73 = arith.constant 0 : i32
      %dma_start3A_74 = tpu.memref_slice %arg4[%dma_start3A_66, %multiple_of3A, %dma_start3A_73] : memref<32x898x128xf32, #tpu.memory_space<hbm>> -> memref<1x32x128xf32, #tpu.memory_space<hbm>>
      %dma_start3A_75 = tpu.memref_squeeze %dma_start3A_74 : memref<1x32x128xf32, #tpu.memory_space<hbm>> -> memref<32x128xf32, #tpu.memory_space<hbm>>
      %dma_start3A_76 = arith.constant 0 : i32
      %dma_start3A_77 = arith.constant 0 : i32
      %dma_start3A_78 = tpu.memref_slice %arg6[%dma_start3A_76, %dma_start3A_77] : memref<40x128xf32, #tpu.memory_space<vmem>> -> memref<32x128xf32, #tpu.memory_space<vmem>>
      tpu.enqueue_dma source(%dma_start3A_78 : memref<32x128xf32, #tpu.memory_space<vmem>>) target(%dma_start3A_75 : memref<32x128xf32, #tpu.memory_space<hbm>>) target_semaphore(%arg8 : memref<!tpu.dma_semaphore, #tpu.memory_space<semaphore_mem>>)
      %dma_start3A_79 = arith.constant 5 : i32
      %dma_start3A_80 = arith.constant 0 : i32
      %dma_start3A_81 = arith.constant 0 : i32
      %dma_start3A_82 = tpu.memref_slice %arg6[%dma_start3A_80, %dma_start3A_81] : memref<40x128xf32, #tpu.memory_space<vmem>> -> memref<32x128xf32, #tpu.memory_space<vmem>>
      %dma_start3A_83 = arith.constant 0 : i32
      %dma_start3A_84 = tpu.memref_slice %arg4[%dma_start3A_79, %multiple_of3A, %dma_start3A_83] : memref<32x898x128xf32, #tpu.memory_space<hbm>> -> memref<1x32x128xf32, #tpu.memory_space<hbm>>
      %dma_start3A_85 = tpu.memref_squeeze %dma_start3A_84 : memref<1x32x128xf32, #tpu.memory_space<hbm>> -> memref<32x128xf32, #tpu.memory_space<hbm>>
      %dma_start3A_86 = arith.constant 0 : i32
      %dma_start3A_87 = tpu.memref_slice %arg4[%dma_start3A_79, %multiple_of3A, %dma_start3A_86] : memref<32x898x128xf32, #tpu.memory_space<hbm>> -> memref<1x32x128xf32, #tpu.memory_space<hbm>>
      %dma_start3A_88 = tpu.memref_squeeze %dma_start3A_87 : memref<1x32x128xf32, #tpu.memory_space<hbm>> -> memref<32x128xf32, #tpu.memory_space<hbm>>
      %dma_start3A_89 = arith.constant 0 : i32
      %dma_start3A_90 = arith.constant 0 : i32
      %dma_start3A_91 = tpu.memref_slice %arg6[%dma_start3A_89, %dma_start3A_90] : memref<40x128xf32, #tpu.memory_space<vmem>> -> memref<32x128xf32, #tpu.memory_space<vmem>>
      tpu.enqueue_dma source(%dma_start3A_91 : memref<32x128xf32, #tpu.memory_space<vmem>>) target(%dma_start3A_88 : memref<32x128xf32, #tpu.memory_space<hbm>>) target_semaphore(%arg8 : memref<!tpu.dma_semaphore, #tpu.memory_space<semaphore_mem>>)
      %dma_start3A_92 = arith.constant 6 : i32
      %dma_start3A_93 = arith.constant 0 : i32
      %dma_start3A_94 = arith.constant 0 : i32
      %dma_start3A_95 = tpu.memref_slice %arg6[%dma_start3A_93, %dma_start3A_94] : memref<40x128xf32, #tpu.memory_space<vmem>> -> memref<32x128xf32, #tpu.memory_space<vmem>>
      %dma_start3A_96 = arith.constant 0 : i32
      %dma_start3A_97 = tpu.memref_slice %arg4[%dma_start3A_92, %multiple_of3A, %dma_start3A_96] : memref<32x898x128xf32, #tpu.memory_space<hbm>> -> memref<1x32x128xf32, #tpu.memory_space<hbm>>
      %dma_start3A_98 = tpu.memref_squeeze %dma_start3A_97 : memref<1x32x128xf32, #tpu.memory_space<hbm>> -> memref<32x128xf32, #tpu.memory_space<hbm>>
      %dma_start3A_99 = arith.constant 0 : i32
      %dma_start3A_100 = tpu.memref_slice %arg4[%dma_start3A_92, %multiple_of3A, %dma_start3A_99] : memref<32x898x128xf32, #tpu.memory_space<hbm>> -> memref<1x32x128xf32, #tpu.memory_space<hbm>>
      %dma_start3A_101 = tpu.memref_squeeze %dma_start3A_100 : memref<1x32x128xf32, #tpu.memory_space<hbm>> -> memref<32x128xf32, #tpu.memory_space<hbm>>
      %dma_start3A_102 = arith.constant 0 : i32
      %dma_start3A_103 = arith.constant 0 : i32
      %dma_start3A_104 = tpu.memref_slice %arg6[%dma_start3A_102, %dma_start3A_103] : memref<40x128xf32, #tpu.memory_space<vmem>> -> memref<32x128xf32, #tpu.memory_space<vmem>>
      tpu.enqueue_dma source(%dma_start3A_104 : memref<32x128xf32, #tpu.memory_space<vmem>>) target(%dma_start3A_101 : memref<32x128xf32, #tpu.memory_space<hbm>>) target_semaphore(%arg8 : memref<!tpu.dma_semaphore, #tpu.memory_space<semaphore_mem>>)
      %dma_start3A_105 = arith.constant 7 : i32
      %dma_start3A_106 = arith.constant 0 : i32
      %dma_start3A_107 = arith.constant 0 : i32
      %dma_start3A_108 = tpu.memref_slice %arg6[%dma_start3A_106, %dma_start3A_107] : memref<40x128xf32, #tpu.memory_space<vmem>> -> memref<32x128xf32, #tpu.memory_space<vmem>>
      %dma_start3A_109 = arith.constant 0 : i32
      %dma_start3A_110 = tpu.memref_slice %arg4[%dma_start3A_105, %multiple_of3A, %dma_start3A_109] : memref<32x898x128xf32, #tpu.memory_space<hbm>> -> memref<1x32x128xf32, #tpu.memory_space<hbm>>
      %dma_start3A_111 = tpu.memref_squeeze %dma_start3A_110 : memref<1x32x128xf32, #tpu.memory_space<hbm>> -> memref<32x128xf32, #tpu.memory_space<hbm>>
      %dma_start3A_112 = arith.constant 0 : i32
      %dma_start3A_113 = tpu.memref_slice %arg4[%dma_start3A_105, %multiple_of3A, %dma_start3A_112] : memref<32x898x128xf32, #tpu.memory_space<hbm>> -> memref<1x32x128xf32, #tpu.memory_space<hbm>>
      %dma_start3A_114 = tpu.memref_squeeze %dma_start3A_113 : memref<1x32x128xf32, #tpu.memory_space<hbm>> -> memref<32x128xf32, #tpu.memory_space<hbm>>
      %dma_start3A_115 = arith.constant 0 : i32
      %dma_start3A_116 = arith.constant 0 : i32
      %dma_start3A_117 = tpu.memref_slice %arg6[%dma_start3A_115, %dma_start3A_116] : memref<40x128xf32, #tpu.memory_space<vmem>> -> memref<32x128xf32, #tpu.memory_space<vmem>>
      tpu.enqueue_dma source(%dma_start3A_117 : memref<32x128xf32, #tpu.memory_space<vmem>>) target(%dma_start3A_114 : memref<32x128xf32, #tpu.memory_space<hbm>>) target_semaphore(%arg8 : memref<!tpu.dma_semaphore, #tpu.memory_space<semaphore_mem>>)
      %dma_start3A_118 = arith.constant 8 : i32
      %dma_start3A_119 = arith.constant 0 : i32
      %dma_start3A_120 = arith.constant 0 : i32
      %dma_start3A_121 = tpu.memref_slice %arg6[%dma_start3A_119, %dma_start3A_120] : memref<40x128xf32, #tpu.memory_space<vmem>> -> memref<32x128xf32, #tpu.memory_space<vmem>>
      %dma_start3A_122 = arith.constant 0 : i32
      %dma_start3A_123 = tpu.memref_slice %arg4[%dma_start3A_118, %multiple_of3A, %dma_start3A_122] : memref<32x898x128xf32, #tpu.memory_space<hbm>> -> memref<1x32x128xf32, #tpu.memory_space<hbm>>
      %dma_start3A_124 = tpu.memref_squeeze %dma_start3A_123 : memref<1x32x128xf32, #tpu.memory_space<hbm>> -> memref<32x128xf32, #tpu.memory_space<hbm>>
      %dma_start3A_125 = arith.constant 0 : i32
      %dma_start3A_126 = tpu.memref_slice %arg4[%dma_start3A_118, %multiple_of3A, %dma_start3A_125] : memref<32x898x128xf32, #tpu.memory_space<hbm>> -> memref<1x32x128xf32, #tpu.memory_space<hbm>>
      %dma_start3A_127 = tpu.memref_squeeze %dma_start3A_126 : memref<1x32x128xf32, #tpu.memory_space<hbm>> -> memref<32x128xf32, #tpu.memory_space<hbm>>
      %dma_start3A_128 = arith.constant 0 : i32
      %dma_start3A_129 = arith.constant 0 : i32
      %dma_start3A_130 = tpu.memref_slice %arg6[%dma_start3A_128, %dma_start3A_129] : memref<40x128xf32, #tpu.memory_space<vmem>> -> memref<32x128xf32, #tpu.memory_space<vmem>>
      tpu.enqueue_dma source(%dma_start3A_130 : memref<32x128xf32, #tpu.memory_space<vmem>>) target(%dma_start3A_127 : memref<32x128xf32, #tpu.memory_space<hbm>>) target_semaphore(%arg8 : memref<!tpu.dma_semaphore, #tpu.memory_space<semaphore_mem>>)
      %dma_start3A_131 = arith.constant 9 : i32
      %dma_start3A_132 = arith.constant 0 : i32
      %dma_start3A_133 = arith.constant 0 : i32
      %dma_start3A_134 = tpu.memref_slice %arg6[%dma_start3A_132, %dma_start3A_133] : memref<40x128xf32, #tpu.memory_space<vmem>> -> memref<32x128xf32, #tpu.memory_space<vmem>>
      %dma_start3A_135 = arith.constant 0 : i32
      %dma_start3A_136 = tpu.memref_slice %arg4[%dma_start3A_131, %multiple_of3A, %dma_start3A_135] : memref<32x898x128xf32, #tpu.memory_space<hbm>> -> memref<1x32x128xf32, #tpu.memory_space<hbm>>
      %dma_start3A_137 = tpu.memref_squeeze %dma_start3A_136 : memref<1x32x128xf32, #tpu.memory_space<hbm>> -> memref<32x128xf32, #tpu.memory_space<hbm>>
      %dma_start3A_138 = arith.constant 0 : i32
      %dma_start3A_139 = tpu.memref_slice %arg4[%dma_start3A_131, %multiple_of3A, %dma_start3A_138] : memref<32x898x128xf32, #tpu.memory_space<hbm>> -> memref<1x32x128xf32, #tpu.memory_space<hbm>>
      %dma_start3A_140 = tpu.memref_squeeze %dma_start3A_139 : memref<1x32x128xf32, #tpu.memory_space<hbm>> -> memref<32x128xf32, #tpu.memory_space<hbm>>
      %dma_start3A_141 = arith.constant 0 : i32
      %dma_start3A_142 = arith.constant 0 : i32
      %dma_start3A_143 = tpu.memref_slice %arg6[%dma_start3A_141, %dma_start3A_142] : memref<40x128xf32, #tpu.memory_space<vmem>> -> memref<32x128xf32, #tpu.memory_space<vmem>>
      tpu.enqueue_dma source(%dma_start3A_143 : memref<32x128xf32, #tpu.memory_space<vmem>>) target(%dma_start3A_140 : memref<32x128xf32, #tpu.memory_space<hbm>>) target_semaphore(%arg8 : memref<!tpu.dma_semaphore, #tpu.memory_space<semaphore_mem>>)
      %dma_start3A_144 = arith.constant 10 : i32
      %dma_start3A_145 = arith.constant 0 : i32
      %dma_start3A_146 = arith.constant 0 : i32
      %dma_start3A_147 = tpu.memref_slice %arg6[%dma_start3A_145, %dma_start3A_146] : memref<40x128xf32, #tpu.memory_space<vmem>> -> memref<32x128xf32, #tpu.memory_space<vmem>>
      %dma_start3A_148 = arith.constant 0 : i32
      %dma_start3A_149 = tpu.memref_slice %arg4[%dma_start3A_144, %multiple_of3A, %dma_start3A_148] : memref<32x898x128xf32, #tpu.memory_space<hbm>> -> memref<1x32x128xf32, #tpu.memory_space<hbm>>
      %dma_start3A_150 = tpu.memref_squeeze %dma_start3A_149 : memref<1x32x128xf32, #tpu.memory_space<hbm>> -> memref<32x128xf32, #tpu.memory_space<hbm>>
      %dma_start3A_151 = arith.constant 0 : i32
      %dma_start3A_152 = tpu.memref_slice %arg4[%dma_start3A_144, %multiple_of3A, %dma_start3A_151] : memref<32x898x128xf32, #tpu.memory_space<hbm>> -> memref<1x32x128xf32, #tpu.memory_space<hbm>>
      %dma_start3A_153 = tpu.memref_squeeze %dma_start3A_152 : memref<1x32x128xf32, #tpu.memory_space<hbm>> -> memref<32x128xf32, #tpu.memory_space<hbm>>
      %dma_start3A_154 = arith.constant 0 : i32
      %dma_start3A_155 = arith.constant 0 : i32
      %dma_start3A_156 = tpu.memref_slice %arg6[%dma_start3A_154, %dma_start3A_155] : memref<40x128xf32, #tpu.memory_space<vmem>> -> memref<32x128xf32, #tpu.memory_space<vmem>>
      tpu.enqueue_dma source(%dma_start3A_156 : memref<32x128xf32, #tpu.memory_space<vmem>>) target(%dma_start3A_153 : memref<32x128xf32, #tpu.memory_space<hbm>>) target_semaphore(%arg8 : memref<!tpu.dma_semaphore, #tpu.memory_space<semaphore_mem>>)
      %dma_start3A_157 = arith.constant 11 : i32
      %dma_start3A_158 = arith.constant 0 : i32
      %dma_start3A_159 = arith.constant 0 : i32
      %dma_start3A_160 = tpu.memref_slice %arg6[%dma_start3A_158, %dma_start3A_159] : memref<40x128xf32, #tpu.memory_space<vmem>> -> memref<32x128xf32, #tpu.memory_space<vmem>>
      %dma_start3A_161 = arith.constant 0 : i32
      %dma_start3A_162 = tpu.memref_slice %arg4[%dma_start3A_157, %multiple_of3A, %dma_start3A_161] : memref<32x898x128xf32, #tpu.memory_space<hbm>> -> memref<1x32x128xf32, #tpu.memory_space<hbm>>
      %dma_start3A_163 = tpu.memref_squeeze %dma_start3A_162 : memref<1x32x128xf32, #tpu.memory_space<hbm>> -> memref<32x128xf32, #tpu.memory_space<hbm>>
      %dma_start3A_164 = arith.constant 0 : i32
      %dma_start3A_165 = tpu.memref_slice %arg4[%dma_start3A_157, %multiple_of3A, %dma_start3A_164] : memref<32x898x128xf32, #tpu.memory_space<hbm>> -> memref<1x32x128xf32, #tpu.memory_space<hbm>>
      %dma_start3A_166 = tpu.memref_squeeze %dma_start3A_165 : memref<1x32x128xf32, #tpu.memory_space<hbm>> -> memref<32x128xf32, #tpu.memory_space<hbm>>
      %dma_start3A_167 = arith.constant 0 : i32
      %dma_start3A_168 = arith.constant 0 : i32
      %dma_start3A_169 = tpu.memref_slice %arg6[%dma_start3A_167, %dma_start3A_168] : memref<40x128xf32, #tpu.memory_space<vmem>> -> memref<32x128xf32, #tpu.memory_space<vmem>>
      tpu.enqueue_dma source(%dma_start3A_169 : memref<32x128xf32, #tpu.memory_space<vmem>>) target(%dma_start3A_166 : memref<32x128xf32, #tpu.memory_space<hbm>>) target_semaphore(%arg8 : memref<!tpu.dma_semaphore, #tpu.memory_space<semaphore_mem>>)
      %dma_start3A_170 = arith.constant 12 : i32
      %dma_start3A_171 = arith.constant 0 : i32
      %dma_start3A_172 = arith.constant 0 : i32
      %dma_start3A_173 = tpu.memref_slice %arg6[%dma_start3A_171, %dma_start3A_172] : memref<40x128xf32, #tpu.memory_space<vmem>> -> memref<32x128xf32, #tpu.memory_space<vmem>>
      %dma_start3A_174 = arith.constant 0 : i32
      %dma_start3A_175 = tpu.memref_slice %arg4[%dma_start3A_170, %multiple_of3A, %dma_start3A_174] : memref<32x898x128xf32, #tpu.memory_space<hbm>> -> memref<1x32x128xf32, #tpu.memory_space<hbm>>
      %dma_start3A_176 = tpu.memref_squeeze %dma_start3A_175 : memref<1x32x128xf32, #tpu.memory_space<hbm>> -> memref<32x128xf32, #tpu.memory_space<hbm>>
      %dma_start3A_177 = arith.constant 0 : i32
      %dma_start3A_178 = tpu.memref_slice %arg4[%dma_start3A_170, %multiple_of3A, %dma_start3A_177] : memref<32x898x128xf32, #tpu.memory_space<hbm>> -> memref<1x32x128xf32, #tpu.memory_space<hbm>>
      %dma_start3A_179 = tpu.memref_squeeze %dma_start3A_178 : memref<1x32x128xf32, #tpu.memory_space<hbm>> -> memref<32x128xf32, #tpu.memory_space<hbm>>
      %dma_start3A_180 = arith.constant 0 : i32
      %dma_start3A_181 = arith.constant 0 : i32
      %dma_start3A_182 = tpu.memref_slice %arg6[%dma_start3A_180, %dma_start3A_181] : memref<40x128xf32, #tpu.memory_space<vmem>> -> memref<32x128xf32, #tpu.memory_space<vmem>>
      tpu.enqueue_dma source(%dma_start3A_182 : memref<32x128xf32, #tpu.memory_space<vmem>>) target(%dma_start3A_179 : memref<32x128xf32, #tpu.memory_space<hbm>>) target_semaphore(%arg8 : memref<!tpu.dma_semaphore, #tpu.memory_space<semaphore_mem>>)
      %dma_start3A_183 = arith.constant 13 : i32
      %dma_start3A_184 = arith.constant 0 : i32
      %dma_start3A_185 = arith.constant 0 : i32
      %dma_start3A_186 = tpu.memref_slice %arg6[%dma_start3A_184, %dma_start3A_185] : memref<40x128xf32, #tpu.memory_space<vmem>> -> memref<32x128xf32, #tpu.memory_space<vmem>>
      %dma_start3A_187 = arith.constant 0 : i32
      %dma_start3A_188 = tpu.memref_slice %arg4[%dma_start3A_183, %multiple_of3A, %dma_start3A_187] : memref<32x898x128xf32, #tpu.memory_space<hbm>> -> memref<1x32x128xf32, #tpu.memory_space<hbm>>
      %dma_start3A_189 = tpu.memref_squeeze %dma_start3A_188 : memref<1x32x128xf32, #tpu.memory_space<hbm>> -> memref<32x128xf32, #tpu.memory_space<hbm>>
      %dma_start3A_190 = arith.constant 0 : i32
      %dma_start3A_191 = tpu.memref_slice %arg4[%dma_start3A_183, %multiple_of3A, %dma_start3A_190] : memref<32x898x128xf32, #tpu.memory_space<hbm>> -> memref<1x32x128xf32, #tpu.memory_space<hbm>>
      %dma_start3A_192 = tpu.memref_squeeze %dma_start3A_191 : memref<1x32x128xf32, #tpu.memory_space<hbm>> -> memref<32x128xf32, #tpu.memory_space<hbm>>
      %dma_start3A_193 = arith.constant 0 : i32
      %dma_start3A_194 = arith.constant 0 : i32
      %dma_start3A_195 = tpu.memref_slice %arg6[%dma_start3A_193, %dma_start3A_194] : memref<40x128xf32, #tpu.memory_space<vmem>> -> memref<32x128xf32, #tpu.memory_space<vmem>>
      tpu.enqueue_dma source(%dma_start3A_195 : memref<32x128xf32, #tpu.memory_space<vmem>>) target(%dma_start3A_192 : memref<32x128xf32, #tpu.memory_space<hbm>>) target_semaphore(%arg8 : memref<!tpu.dma_semaphore, #tpu.memory_space<semaphore_mem>>)
      %dma_start3A_196 = arith.constant 14 : i32
      %dma_start3A_197 = arith.constant 0 : i32
      %dma_start3A_198 = arith.constant 0 : i32
      %dma_start3A_199 = tpu.memref_slice %arg6[%dma_start3A_197, %dma_start3A_198] : memref<40x128xf32, #tpu.memory_space<vmem>> -> memref<32x128xf32, #tpu.memory_space<vmem>>
      %dma_start3A_200 = arith.constant 0 : i32
      %dma_start3A_201 = tpu.memref_slice %arg4[%dma_start3A_196, %multiple_of3A, %dma_start3A_200] : memref<32x898x128xf32, #tpu.memory_space<hbm>> -> memref<1x32x128xf32, #tpu.memory_space<hbm>>
      %dma_start3A_202 = tpu.memref_squeeze %dma_start3A_201 : memref<1x32x128xf32, #tpu.memory_space<hbm>> -> memref<32x128xf32, #tpu.memory_space<hbm>>
      %dma_start3A_203 = arith.constant 0 : i32
      %dma_start3A_204 = tpu.memref_slice %arg4[%dma_start3A_196, %multiple_of3A, %dma_start3A_203] : memref<32x898x128xf32, #tpu.memory_space<hbm>> -> memref<1x32x128xf32, #tpu.memory_space<hbm>>
      %dma_start3A_205 = tpu.memref_squeeze %dma_start3A_204 : memref<1x32x128xf32, #tpu.memory_space<hbm>> -> memref<32x128xf32, #tpu.memory_space<hbm>>
      %dma_start3A_206 = arith.constant 0 : i32
      %dma_start3A_207 = arith.constant 0 : i32
      %dma_start3A_208 = tpu.memref_slice %arg6[%dma_start3A_206, %dma_start3A_207] : memref<40x128xf32, #tpu.memory_space<vmem>> -> memref<32x128xf32, #tpu.memory_space<vmem>>
      tpu.enqueue_dma source(%dma_start3A_208 : memref<32x128xf32, #tpu.memory_space<vmem>>) target(%dma_start3A_205 : memref<32x128xf32, #tpu.memory_space<hbm>>) target_semaphore(%arg8 : memref<!tpu.dma_semaphore, #tpu.memory_space<semaphore_mem>>)
      %dma_start3A_209 = arith.constant 15 : i32
      %dma_start3A_210 = arith.constant 0 : i32
      %dma_start3A_211 = arith.constant 0 : i32
      %dma_start3A_212 = tpu.memref_slice %arg6[%dma_start3A_210, %dma_start3A_211] : memref<40x128xf32, #tpu.memory_space<vmem>> -> memref<32x128xf32, #tpu.memory_space<vmem>>
      %dma_start3A_213 = arith.constant 0 : i32
      %dma_start3A_214 = tpu.memref_slice %arg4[%dma_start3A_209, %multiple_of3A, %dma_start3A_213] : memref<32x898x128xf32, #tpu.memory_space<hbm>> -> memref<1x32x128xf32, #tpu.memory_space<hbm>>
      %dma_start3A_215 = tpu.memref_squeeze %dma_start3A_214 : memref<1x32x128xf32, #tpu.memory_space<hbm>> -> memref<32x128xf32, #tpu.memory_space<hbm>>
      %dma_start3A_216 = arith.constant 0 : i32
      %dma_start3A_217 = tpu.memref_slice %arg4[%dma_start3A_209, %multiple_of3A, %dma_start3A_216] : memref<32x898x128xf32, #tpu.memory_space<hbm>> -> memref<1x32x128xf32, #tpu.memory_space<hbm>>
      %dma_start3A_218 = tpu.memref_squeeze %dma_start3A_217 : memref<1x32x128xf32, #tpu.memory_space<hbm>> -> memref<32x128xf32, #tpu.memory_space<hbm>>
      %dma_start3A_219 = arith.constant 0 : i32
      %dma_start3A_220 = arith.constant 0 : i32
      %dma_start3A_221 = tpu.memref_slice %arg6[%dma_start3A_219, %dma_start3A_220] : memref<40x128xf32, #tpu.memory_space<vmem>> -> memref<32x128xf32, #tpu.memory_space<vmem>>
      tpu.enqueue_dma source(%dma_start3A_221 : memref<32x128xf32, #tpu.memory_space<vmem>>) target(%dma_start3A_218 : memref<32x128xf32, #tpu.memory_space<hbm>>) target_semaphore(%arg8 : memref<!tpu.dma_semaphore, #tpu.memory_space<semaphore_mem>>)
      %dma_start3A_222 = arith.constant 16 : i32
      %dma_start3A_223 = arith.constant 0 : i32
      %dma_start3A_224 = arith.constant 0 : i32
      %dma_start3A_225 = tpu.memref_slice %arg6[%dma_start3A_223, %dma_start3A_224] : memref<40x128xf32, #tpu.memory_space<vmem>> -> memref<32x128xf32, #tpu.memory_space<vmem>>
      %dma_start3A_226 = arith.constant 0 : i32
      %dma_start3A_227 = tpu.memref_slice %arg4[%dma_start3A_222, %multiple_of3A, %dma_start3A_226] : memref<32x898x128xf32, #tpu.memory_space<hbm>> -> memref<1x32x128xf32, #tpu.memory_space<hbm>>
      %dma_start3A_228 = tpu.memref_squeeze %dma_start3A_227 : memref<1x32x128xf32, #tpu.memory_space<hbm>> -> memref<32x128xf32, #tpu.memory_space<hbm>>
      %dma_start3A_229 = arith.constant 0 : i32
      %dma_start3A_230 = tpu.memref_slice %arg4[%dma_start3A_222, %multiple_of3A, %dma_start3A_229] : memref<32x898x128xf32, #tpu.memory_space<hbm>> -> memref<1x32x128xf32, #tpu.memory_space<hbm>>
      %dma_start3A_231 = tpu.memref_squeeze %dma_start3A_230 : memref<1x32x128xf32, #tpu.memory_space<hbm>> -> memref<32x128xf32, #tpu.memory_space<hbm>>
      %dma_start3A_232 = arith.constant 0 : i32
      %dma_start3A_233 = arith.constant 0 : i32
      %dma_start3A_234 = tpu.memref_slice %arg6[%dma_start3A_232, %dma_start3A_233] : memref<40x128xf32, #tpu.memory_space<vmem>> -> memref<32x128xf32, #tpu.memory_space<vmem>>
      tpu.enqueue_dma source(%dma_start3A_234 : memref<32x128xf32, #tpu.memory_space<vmem>>) target(%dma_start3A_231 : memref<32x128xf32, #tpu.memory_space<hbm>>) target_semaphore(%arg8 : memref<!tpu.dma_semaphore, #tpu.memory_space<semaphore_mem>>)
      %dma_start3A_235 = arith.constant 17 : i32
      %dma_start3A_236 = arith.constant 0 : i32
      %dma_start3A_237 = arith.constant 0 : i32
      %dma_start3A_238 = tpu.memref_slice %arg6[%dma_start3A_236, %dma_start3A_237] : memref<40x128xf32, #tpu.memory_space<vmem>> -> memref<32x128xf32, #tpu.memory_space<vmem>>
      %dma_start3A_239 = arith.constant 0 : i32
      %dma_start3A_240 = tpu.memref_slice %arg4[%dma_start3A_235, %multiple_of3A, %dma_start3A_239] : memref<32x898x128xf32, #tpu.memory_space<hbm>> -> memref<1x32x128xf32, #tpu.memory_space<hbm>>
      %dma_start3A_241 = tpu.memref_squeeze %dma_start3A_240 : memref<1x32x128xf32, #tpu.memory_space<hbm>> -> memref<32x128xf32, #tpu.memory_space<hbm>>
      %dma_start3A_242 = arith.constant 0 : i32
      %dma_start3A_243 = tpu.memref_slice %arg4[%dma_start3A_235, %multiple_of3A, %dma_start3A_242] : memref<32x898x128xf32, #tpu.memory_space<hbm>> -> memref<1x32x128xf32, #tpu.memory_space<hbm>>
      %dma_start3A_244 = tpu.memref_squeeze %dma_start3A_243 : memref<1x32x128xf32, #tpu.memory_space<hbm>> -> memref<32x128xf32, #tpu.memory_space<hbm>>
      %dma_start3A_245 = arith.constant 0 : i32
      %dma_start3A_246 = arith.constant 0 : i32
      %dma_start3A_247 = tpu.memref_slice %arg6[%dma_start3A_245, %dma_start3A_246] : memref<40x128xf32, #tpu.memory_space<vmem>> -> memref<32x128xf32, #tpu.memory_space<vmem>>
      tpu.enqueue_dma source(%dma_start3A_247 : memref<32x128xf32, #tpu.memory_space<vmem>>) target(%dma_start3A_244 : memref<32x128xf32, #tpu.memory_space<hbm>>) target_semaphore(%arg8 : memref<!tpu.dma_semaphore, #tpu.memory_space<semaphore_mem>>)
      %dma_start3A_248 = arith.constant 18 : i32
      %dma_start3A_249 = arith.constant 0 : i32
      %dma_start3A_250 = arith.constant 0 : i32
      %dma_start3A_251 = tpu.memref_slice %arg6[%dma_start3A_249, %dma_start3A_250] : memref<40x128xf32, #tpu.memory_space<vmem>> -> memref<32x128xf32, #tpu.memory_space<vmem>>
      %dma_start3A_252 = arith.constant 0 : i32
      %dma_start3A_253 = tpu.memref_slice %arg4[%dma_start3A_248, %multiple_of3A, %dma_start3A_252] : memref<32x898x128xf32, #tpu.memory_space<hbm>> -> memref<1x32x128xf32, #tpu.memory_space<hbm>>
      %dma_start3A_254 = tpu.memref_squeeze %dma_start3A_253 : memref<1x32x128xf32, #tpu.memory_space<hbm>> -> memref<32x128xf32, #tpu.memory_space<hbm>>
      %dma_start3A_255 = arith.constant 0 : i32
      %dma_start3A_256 = tpu.memref_slice %arg4[%dma_start3A_248, %multiple_of3A, %dma_start3A_255] : memref<32x898x128xf32, #tpu.memory_space<hbm>> -> memref<1x32x128xf32, #tpu.memory_space<hbm>>
      %dma_start3A_257 = tpu.memref_squeeze %dma_start3A_256 : memref<1x32x128xf32, #tpu.memory_space<hbm>> -> memref<32x128xf32, #tpu.memory_space<hbm>>
      %dma_start3A_258 = arith.constant 0 : i32
      %dma_start3A_259 = arith.constant 0 : i32
      %dma_start3A_260 = tpu.memref_slice %arg6[%dma_start3A_258, %dma_start3A_259] : memref<40x128xf32, #tpu.memory_space<vmem>> -> memref<32x128xf32, #tpu.memory_space<vmem>>
      tpu.enqueue_dma source(%dma_start3A_260 : memref<32x128xf32, #tpu.memory_space<vmem>>) target(%dma_start3A_257 : memref<32x128xf32, #tpu.memory_space<hbm>>) target_semaphore(%arg8 : memref<!tpu.dma_semaphore, #tpu.memory_space<semaphore_mem>>)
      %dma_start3A_261 = arith.constant 19 : i32
      %dma_start3A_262 = arith.constant 0 : i32
      %dma_start3A_263 = arith.constant 0 : i32
      %dma_start3A_264 = tpu.memref_slice %arg6[%dma_start3A_262, %dma_start3A_263] : memref<40x128xf32, #tpu.memory_space<vmem>> -> memref<32x128xf32, #tpu.memory_space<vmem>>
      %dma_start3A_265 = arith.constant 0 : i32
      %dma_start3A_266 = tpu.memref_slice %arg4[%dma_start3A_261, %multiple_of3A, %dma_start3A_265] : memref<32x898x128xf32, #tpu.memory_space<hbm>> -> memref<1x32x128xf32, #tpu.memory_space<hbm>>
      %dma_start3A_267 = tpu.memref_squeeze %dma_start3A_266 : memref<1x32x128xf32, #tpu.memory_space<hbm>> -> memref<32x128xf32, #tpu.memory_space<hbm>>
      %dma_start3A_268 = arith.constant 0 : i32
      %dma_start3A_269 = tpu.memref_slice %arg4[%dma_start3A_261, %multiple_of3A, %dma_start3A_268] : memref<32x898x128xf32, #tpu.memory_space<hbm>> -> memref<1x32x128xf32, #tpu.memory_space<hbm>>
      %dma_start3A_270 = tpu.memref_squeeze %dma_start3A_269 : memref<1x32x128xf32, #tpu.memory_space<hbm>> -> memref<32x128xf32, #tpu.memory_space<hbm>>
      %dma_start3A_271 = arith.constant 0 : i32
      %dma_start3A_272 = arith.constant 0 : i32
      %dma_start3A_273 = tpu.memref_slice %arg6[%dma_start3A_271, %dma_start3A_272] : memref<40x128xf32, #tpu.memory_space<vmem>> -> memref<32x128xf32, #tpu.memory_space<vmem>>
      tpu.enqueue_dma source(%dma_start3A_273 : memref<32x128xf32, #tpu.memory_space<vmem>>) target(%dma_start3A_270 : memref<32x128xf32, #tpu.memory_space<hbm>>) target_semaphore(%arg8 : memref<!tpu.dma_semaphore, #tpu.memory_space<semaphore_mem>>)
      %dma_start3A_274 = arith.constant 20 : i32
      %dma_start3A_275 = arith.constant 0 : i32
      %dma_start3A_276 = arith.constant 0 : i32
      %dma_start3A_277 = tpu.memref_slice %arg6[%dma_start3A_275, %dma_start3A_276] : memref<40x128xf32, #tpu.memory_space<vmem>> -> memref<32x128xf32, #tpu.memory_space<vmem>>
      %dma_start3A_278 = arith.constant 0 : i32
      %dma_start3A_279 = tpu.memref_slice %arg4[%dma_start3A_274, %multiple_of3A, %dma_start3A_278] : memref<32x898x128xf32, #tpu.memory_space<hbm>> -> memref<1x32x128xf32, #tpu.memory_space<hbm>>
      %dma_start3A_280 = tpu.memref_squeeze %dma_start3A_279 : memref<1x32x128xf32, #tpu.memory_space<hbm>> -> memref<32x128xf32, #tpu.memory_space<hbm>>
      %dma_start3A_281 = arith.constant 0 : i32
      %dma_start3A_282 = tpu.memref_slice %arg4[%dma_start3A_274, %multiple_of3A, %dma_start3A_281] : memref<32x898x128xf32, #tpu.memory_space<hbm>> -> memref<1x32x128xf32, #tpu.memory_space<hbm>>
      %dma_start3A_283 = tpu.memref_squeeze %dma_start3A_282 : memref<1x32x128xf32, #tpu.memory_space<hbm>> -> memref<32x128xf32, #tpu.memory_space<hbm>>
      %dma_start3A_284 = arith.constant 0 : i32
      %dma_start3A_285 = arith.constant 0 : i32
      %dma_start3A_286 = tpu.memref_slice %arg6[%dma_start3A_284, %dma_start3A_285] : memref<40x128xf32, #tpu.memory_space<vmem>> -> memref<32x128xf32, #tpu.memory_space<vmem>>
      tpu.enqueue_dma source(%dma_start3A_286 : memref<32x128xf32, #tpu.memory_space<vmem>>) target(%dma_start3A_283 : memref<32x128xf32, #tpu.memory_space<hbm>>) target_semaphore(%arg8 : memref<!tpu.dma_semaphore, #tpu.memory_space<semaphore_mem>>)
      %dma_start3A_287 = arith.constant 21 : i32
      %dma_start3A_288 = arith.constant 0 : i32
      %dma_start3A_289 = arith.constant 0 : i32
      %dma_start3A_290 = tpu.memref_slice %arg6[%dma_start3A_288, %dma_start3A_289] : memref<40x128xf32, #tpu.memory_space<vmem>> -> memref<32x128xf32, #tpu.memory_space<vmem>>
      %dma_start3A_291 = arith.constant 0 : i32
      %dma_start3A_292 = tpu.memref_slice %arg4[%dma_start3A_287, %multiple_of3A, %dma_start3A_291] : memref<32x898x128xf32, #tpu.memory_space<hbm>> -> memref<1x32x128xf32, #tpu.memory_space<hbm>>
      %dma_start3A_293 = tpu.memref_squeeze %dma_start3A_292 : memref<1x32x128xf32, #tpu.memory_space<hbm>> -> memref<32x128xf32, #tpu.memory_space<hbm>>
      %dma_start3A_294 = arith.constant 0 : i32
      %dma_start3A_295 = tpu.memref_slice %arg4[%dma_start3A_287, %multiple_of3A, %dma_start3A_294] : memref<32x898x128xf32, #tpu.memory_space<hbm>> -> memref<1x32x128xf32, #tpu.memory_space<hbm>>
      %dma_start3A_296 = tpu.memref_squeeze %dma_start3A_295 : memref<1x32x128xf32, #tpu.memory_space<hbm>> -> memref<32x128xf32, #tpu.memory_space<hbm>>
      %dma_start3A_297 = arith.constant 0 : i32
      %dma_start3A_298 = arith.constant 0 : i32
      %dma_start3A_299 = tpu.memref_slice %arg6[%dma_start3A_297, %dma_start3A_298] : memref<40x128xf32, #tpu.memory_space<vmem>> -> memref<32x128xf32, #tpu.memory_space<vmem>>
      tpu.enqueue_dma source(%dma_start3A_299 : memref<32x128xf32, #tpu.memory_space<vmem>>) target(%dma_start3A_296 : memref<32x128xf32, #tpu.memory_space<hbm>>) target_semaphore(%arg8 : memref<!tpu.dma_semaphore, #tpu.memory_space<semaphore_mem>>)
      %dma_start3A_300 = arith.constant 22 : i32
      %dma_start3A_301 = arith.constant 0 : i32
      %dma_start3A_302 = arith.constant 0 : i32
      %dma_start3A_303 = tpu.memref_slice %arg6[%dma_start3A_301, %dma_start3A_302] : memref<40x128xf32, #tpu.memory_space<vmem>> -> memref<32x128xf32, #tpu.memory_space<vmem>>
      %dma_start3A_304 = arith.constant 0 : i32
      %dma_start3A_305 = tpu.memref_slice %arg4[%dma_start3A_300, %multiple_of3A, %dma_start3A_304] : memref<32x898x128xf32, #tpu.memory_space<hbm>> -> memref<1x32x128xf32, #tpu.memory_space<hbm>>
      %dma_start3A_306 = tpu.memref_squeeze %dma_start3A_305 : memref<1x32x128xf32, #tpu.memory_space<hbm>> -> memref<32x128xf32, #tpu.memory_space<hbm>>
      %dma_start3A_307 = arith.constant 0 : i32
      %dma_start3A_308 = tpu.memref_slice %arg4[%dma_start3A_300, %multiple_of3A, %dma_start3A_307] : memref<32x898x128xf32, #tpu.memory_space<hbm>> -> memref<1x32x128xf32, #tpu.memory_space<hbm>>
      %dma_start3A_309 = tpu.memref_squeeze %dma_start3A_308 : memref<1x32x128xf32, #tpu.memory_space<hbm>> -> memref<32x128xf32, #tpu.memory_space<hbm>>
      %dma_start3A_310 = arith.constant 0 : i32
      %dma_start3A_311 = arith.constant 0 : i32
      %dma_start3A_312 = tpu.memref_slice %arg6[%dma_start3A_310, %dma_start3A_311] : memref<40x128xf32, #tpu.memory_space<vmem>> -> memref<32x128xf32, #tpu.memory_space<vmem>>
      tpu.enqueue_dma source(%dma_start3A_312 : memref<32x128xf32, #tpu.memory_space<vmem>>) target(%dma_start3A_309 : memref<32x128xf32, #tpu.memory_space<hbm>>) target_semaphore(%arg8 : memref<!tpu.dma_semaphore, #tpu.memory_space<semaphore_mem>>)
      %dma_start3A_313 = arith.constant 23 : i32
      %dma_start3A_314 = arith.constant 0 : i32
      %dma_start3A_315 = arith.constant 0 : i32
      %dma_start3A_316 = tpu.memref_slice %arg6[%dma_start3A_314, %dma_start3A_315] : memref<40x128xf32, #tpu.memory_space<vmem>> -> memref<32x128xf32, #tpu.memory_space<vmem>>
      %dma_start3A_317 = arith.constant 0 : i32
      %dma_start3A_318 = tpu.memref_slice %arg4[%dma_start3A_313, %multiple_of3A, %dma_start3A_317] : memref<32x898x128xf32, #tpu.memory_space<hbm>> -> memref<1x32x128xf32, #tpu.memory_space<hbm>>
      %dma_start3A_319 = tpu.memref_squeeze %dma_start3A_318 : memref<1x32x128xf32, #tpu.memory_space<hbm>> -> memref<32x128xf32, #tpu.memory_space<hbm>>
      %dma_start3A_320 = arith.constant 0 : i32
      %dma_start3A_321 = tpu.memref_slice %arg4[%dma_start3A_313, %multiple_of3A, %dma_start3A_320] : memref<32x898x128xf32, #tpu.memory_space<hbm>> -> memref<1x32x128xf32, #tpu.memory_space<hbm>>
      %dma_start3A_322 = tpu.memref_squeeze %dma_start3A_321 : memref<1x32x128xf32, #tpu.memory_space<hbm>> -> memref<32x128xf32, #tpu.memory_space<hbm>>
      %dma_start3A_323 = arith.constant 0 : i32
      %dma_start3A_324 = arith.constant 0 : i32
      %dma_start3A_325 = tpu.memref_slice %arg6[%dma_start3A_323, %dma_start3A_324] : memref<40x128xf32, #tpu.memory_space<vmem>> -> memref<32x128xf32, #tpu.memory_space<vmem>>
      tpu.enqueue_dma source(%dma_start3A_325 : memref<32x128xf32, #tpu.memory_space<vmem>>) target(%dma_start3A_322 : memref<32x128xf32, #tpu.memory_space<hbm>>) target_semaphore(%arg8 : memref<!tpu.dma_semaphore, #tpu.memory_space<semaphore_mem>>)
      %dma_start3A_326 = arith.constant 24 : i32
      %dma_start3A_327 = arith.constant 0 : i32
      %dma_start3A_328 = arith.constant 0 : i32
      %dma_start3A_329 = tpu.memref_slice %arg6[%dma_start3A_327, %dma_start3A_328] : memref<40x128xf32, #tpu.memory_space<vmem>> -> memref<32x128xf32, #tpu.memory_space<vmem>>
      %dma_start3A_330 = arith.constant 0 : i32
      %dma_start3A_331 = tpu.memref_slice %arg4[%dma_start3A_326, %multiple_of3A, %dma_start3A_330] : memref<32x898x128xf32, #tpu.memory_space<hbm>> -> memref<1x32x128xf32, #tpu.memory_space<hbm>>
      %dma_start3A_332 = tpu.memref_squeeze %dma_start3A_331 : memref<1x32x128xf32, #tpu.memory_space<hbm>> -> memref<32x128xf32, #tpu.memory_space<hbm>>
      %dma_start3A_333 = arith.constant 0 : i32
      %dma_start3A_334 = tpu.memref_slice %arg4[%dma_start3A_326, %multiple_of3A, %dma_start3A_333] : memref<32x898x128xf32, #tpu.memory_space<hbm>> -> memref<1x32x128xf32, #tpu.memory_space<hbm>>
      %dma_start3A_335 = tpu.memref_squeeze %dma_start3A_334 : memref<1x32x128xf32, #tpu.memory_space<hbm>> -> memref<32x128xf32, #tpu.memory_space<hbm>>
      %dma_start3A_336 = arith.constant 0 : i32
      %dma_start3A_337 = arith.constant 0 : i32
      %dma_start3A_338 = tpu.memref_slice %arg6[%dma_start3A_336, %dma_start3A_337] : memref<40x128xf32, #tpu.memory_space<vmem>> -> memref<32x128xf32, #tpu.memory_space<vmem>>
      tpu.enqueue_dma source(%dma_start3A_338 : memref<32x128xf32, #tpu.memory_space<vmem>>) target(%dma_start3A_335 : memref<32x128xf32, #tpu.memory_space<hbm>>) target_semaphore(%arg8 : memref<!tpu.dma_semaphore, #tpu.memory_space<semaphore_mem>>)
      %dma_start3A_339 = arith.constant 25 : i32
      %dma_start3A_340 = arith.constant 0 : i32
      %dma_start3A_341 = arith.constant 0 : i32
      %dma_start3A_342 = tpu.memref_slice %arg6[%dma_start3A_340, %dma_start3A_341] : memref<40x128xf32, #tpu.memory_space<vmem>> -> memref<32x128xf32, #tpu.memory_space<vmem>>
      %dma_start3A_343 = arith.constant 0 : i32
      %dma_start3A_344 = tpu.memref_slice %arg4[%dma_start3A_339, %multiple_of3A, %dma_start3A_343] : memref<32x898x128xf32, #tpu.memory_space<hbm>> -> memref<1x32x128xf32, #tpu.memory_space<hbm>>
      %dma_start3A_345 = tpu.memref_squeeze %dma_start3A_344 : memref<1x32x128xf32, #tpu.memory_space<hbm>> -> memref<32x128xf32, #tpu.memory_space<hbm>>
      %dma_start3A_346 = arith.constant 0 : i32
      %dma_start3A_347 = tpu.memref_slice %arg4[%dma_start3A_339, %multiple_of3A, %dma_start3A_346] : memref<32x898x128xf32, #tpu.memory_space<hbm>> -> memref<1x32x128xf32, #tpu.memory_space<hbm>>
      %dma_start3A_348 = tpu.memref_squeeze %dma_start3A_347 : memref<1x32x128xf32, #tpu.memory_space<hbm>> -> memref<32x128xf32, #tpu.memory_space<hbm>>
      %dma_start3A_349 = arith.constant 0 : i32
      %dma_start3A_350 = arith.constant 0 : i32
      %dma_start3A_351 = tpu.memref_slice %arg6[%dma_start3A_349, %dma_start3A_350] : memref<40x128xf32, #tpu.memory_space<vmem>> -> memref<32x128xf32, #tpu.memory_space<vmem>>
      tpu.enqueue_dma source(%dma_start3A_351 : memref<32x128xf32, #tpu.memory_space<vmem>>) target(%dma_start3A_348 : memref<32x128xf32, #tpu.memory_space<hbm>>) target_semaphore(%arg8 : memref<!tpu.dma_semaphore, #tpu.memory_space<semaphore_mem>>)
      %dma_start3A_352 = arith.constant 26 : i32
      %dma_start3A_353 = arith.constant 0 : i32
      %dma_start3A_354 = arith.constant 0 : i32
      %dma_start3A_355 = tpu.memref_slice %arg6[%dma_start3A_353, %dma_start3A_354] : memref<40x128xf32, #tpu.memory_space<vmem>> -> memref<32x128xf32, #tpu.memory_space<vmem>>
      %dma_start3A_356 = arith.constant 0 : i32
      %dma_start3A_357 = tpu.memref_slice %arg4[%dma_start3A_352, %multiple_of3A, %dma_start3A_356] : memref<32x898x128xf32, #tpu.memory_space<hbm>> -> memref<1x32x128xf32, #tpu.memory_space<hbm>>
      %dma_start3A_358 = tpu.memref_squeeze %dma_start3A_357 : memref<1x32x128xf32, #tpu.memory_space<hbm>> -> memref<32x128xf32, #tpu.memory_space<hbm>>
      %dma_start3A_359 = arith.constant 0 : i32
      %dma_start3A_360 = tpu.memref_slice %arg4[%dma_start3A_352, %multiple_of3A, %dma_start3A_359] : memref<32x898x128xf32, #tpu.memory_space<hbm>> -> memref<1x32x128xf32, #tpu.memory_space<hbm>>
      %dma_start3A_361 = tpu.memref_squeeze %dma_start3A_360 : memref<1x32x128xf32, #tpu.memory_space<hbm>> -> memref<32x128xf32, #tpu.memory_space<hbm>>
      %dma_start3A_362 = arith.constant 0 : i32
      %dma_start3A_363 = arith.constant 0 : i32
      %dma_start3A_364 = tpu.memref_slice %arg6[%dma_start3A_362, %dma_start3A_363] : memref<40x128xf32, #tpu.memory_space<vmem>> -> memref<32x128xf32, #tpu.memory_space<vmem>>
      tpu.enqueue_dma source(%dma_start3A_364 : memref<32x128xf32, #tpu.memory_space<vmem>>) target(%dma_start3A_361 : memref<32x128xf32, #tpu.memory_space<hbm>>) target_semaphore(%arg8 : memref<!tpu.dma_semaphore, #tpu.memory_space<semaphore_mem>>)
      %dma_start3A_365 = arith.constant 27 : i32
      %dma_start3A_366 = arith.constant 0 : i32
      %dma_start3A_367 = arith.constant 0 : i32
      %dma_start3A_368 = tpu.memref_slice %arg6[%dma_start3A_366, %dma_start3A_367] : memref<40x128xf32, #tpu.memory_space<vmem>> -> memref<32x128xf32, #tpu.memory_space<vmem>>
      %dma_start3A_369 = arith.constant 0 : i32
      %dma_start3A_370 = tpu.memref_slice %arg4[%dma_start3A_365, %multiple_of3A, %dma_start3A_369] : memref<32x898x128xf32, #tpu.memory_space<hbm>> -> memref<1x32x128xf32, #tpu.memory_space<hbm>>
      %dma_start3A_371 = tpu.memref_squeeze %dma_start3A_370 : memref<1x32x128xf32, #tpu.memory_space<hbm>> -> memref<32x128xf32, #tpu.memory_space<hbm>>
      %dma_start3A_372 = arith.constant 0 : i32
      %dma_start3A_373 = tpu.memref_slice %arg4[%dma_start3A_365, %multiple_of3A, %dma_start3A_372] : memref<32x898x128xf32, #tpu.memory_space<hbm>> -> memref<1x32x128xf32, #tpu.memory_space<hbm>>
      %dma_start3A_374 = tpu.memref_squeeze %dma_start3A_373 : memref<1x32x128xf32, #tpu.memory_space<hbm>> -> memref<32x128xf32, #tpu.memory_space<hbm>>
      %dma_start3A_375 = arith.constant 0 : i32
      %dma_start3A_376 = arith.constant 0 : i32
      %dma_start3A_377 = tpu.memref_slice %arg6[%dma_start3A_375, %dma_start3A_376] : memref<40x128xf32, #tpu.memory_space<vmem>> -> memref<32x128xf32, #tpu.memory_space<vmem>>
      tpu.enqueue_dma source(%dma_start3A_377 : memref<32x128xf32, #tpu.memory_space<vmem>>) target(%dma_start3A_374 : memref<32x128xf32, #tpu.memory_space<hbm>>) target_semaphore(%arg8 : memref<!tpu.dma_semaphore, #tpu.memory_space<semaphore_mem>>)
      %dma_start3A_378 = arith.constant 28 : i32
      %dma_start3A_379 = arith.constant 0 : i32
      %dma_start3A_380 = arith.constant 0 : i32
      %dma_start3A_381 = tpu.memref_slice %arg6[%dma_start3A_379, %dma_start3A_380] : memref<40x128xf32, #tpu.memory_space<vmem>> -> memref<32x128xf32, #tpu.memory_space<vmem>>
      %dma_start3A_382 = arith.constant 0 : i32
      %dma_start3A_383 = tpu.memref_slice %arg4[%dma_start3A_378, %multiple_of3A, %dma_start3A_382] : memref<32x898x128xf32, #tpu.memory_space<hbm>> -> memref<1x32x128xf32, #tpu.memory_space<hbm>>
      %dma_start3A_384 = tpu.memref_squeeze %dma_start3A_383 : memref<1x32x128xf32, #tpu.memory_space<hbm>> -> memref<32x128xf32, #tpu.memory_space<hbm>>
      %dma_start3A_385 = arith.constant 0 : i32
      %dma_start3A_386 = tpu.memref_slice %arg4[%dma_start3A_378, %multiple_of3A, %dma_start3A_385] : memref<32x898x128xf32, #tpu.memory_space<hbm>> -> memref<1x32x128xf32, #tpu.memory_space<hbm>>
      %dma_start3A_387 = tpu.memref_squeeze %dma_start3A_386 : memref<1x32x128xf32, #tpu.memory_space<hbm>> -> memref<32x128xf32, #tpu.memory_space<hbm>>
      %dma_start3A_388 = arith.constant 0 : i32
      %dma_start3A_389 = arith.constant 0 : i32
      %dma_start3A_390 = tpu.memref_slice %arg6[%dma_start3A_388, %dma_start3A_389] : memref<40x128xf32, #tpu.memory_space<vmem>> -> memref<32x128xf32, #tpu.memory_space<vmem>>
      tpu.enqueue_dma source(%dma_start3A_390 : memref<32x128xf32, #tpu.memory_space<vmem>>) target(%dma_start3A_387 : memref<32x128xf32, #tpu.memory_space<hbm>>) target_semaphore(%arg8 : memref<!tpu.dma_semaphore, #tpu.memory_space<semaphore_mem>>)
      %dma_start3A_391 = arith.constant 29 : i32
      %dma_start3A_392 = arith.constant 0 : i32
      %dma_start3A_393 = arith.constant 0 : i32
      %dma_start3A_394 = tpu.memref_slice %arg6[%dma_start3A_392, %dma_start3A_393] : memref<40x128xf32, #tpu.memory_space<vmem>> -> memref<32x128xf32, #tpu.memory_space<vmem>>
      %dma_start3A_395 = arith.constant 0 : i32
      %dma_start3A_396 = tpu.memref_slice %arg4[%dma_start3A_391, %multiple_of3A, %dma_start3A_395] : memref<32x898x128xf32, #tpu.memory_space<hbm>> -> memref<1x32x128xf32, #tpu.memory_space<hbm>>
      %dma_start3A_397 = tpu.memref_squeeze %dma_start3A_396 : memref<1x32x128xf32, #tpu.memory_space<hbm>> -> memref<32x128xf32, #tpu.memory_space<hbm>>
      %dma_start3A_398 = arith.constant 0 : i32
      %dma_start3A_399 = tpu.memref_slice %arg4[%dma_start3A_391, %multiple_of3A, %dma_start3A_398] : memref<32x898x128xf32, #tpu.memory_space<hbm>> -> memref<1x32x128xf32, #tpu.memory_space<hbm>>
      %dma_start3A_400 = tpu.memref_squeeze %dma_start3A_399 : memref<1x32x128xf32, #tpu.memory_space<hbm>> -> memref<32x128xf32, #tpu.memory_space<hbm>>
      %dma_start3A_401 = arith.constant 0 : i32
      %dma_start3A_402 = arith.constant 0 : i32
      %dma_start3A_403 = tpu.memref_slice %arg6[%dma_start3A_401, %dma_start3A_402] : memref<40x128xf32, #tpu.memory_space<vmem>> -> memref<32x128xf32, #tpu.memory_space<vmem>>
      tpu.enqueue_dma source(%dma_start3A_403 : memref<32x128xf32, #tpu.memory_space<vmem>>) target(%dma_start3A_400 : memref<32x128xf32, #tpu.memory_space<hbm>>) target_semaphore(%arg8 : memref<!tpu.dma_semaphore, #tpu.memory_space<semaphore_mem>>)
      %dma_start3A_404 = arith.constant 30 : i32
      %dma_start3A_405 = arith.constant 0 : i32
      %dma_start3A_406 = arith.constant 0 : i32
      %dma_start3A_407 = tpu.memref_slice %arg6[%dma_start3A_405, %dma_start3A_406] : memref<40x128xf32, #tpu.memory_space<vmem>> -> memref<32x128xf32, #tpu.memory_space<vmem>>
      %dma_start3A_408 = arith.constant 0 : i32
      %dma_start3A_409 = tpu.memref_slice %arg4[%dma_start3A_404, %multiple_of3A, %dma_start3A_408] : memref<32x898x128xf32, #tpu.memory_space<hbm>> -> memref<1x32x128xf32, #tpu.memory_space<hbm>>
      %dma_start3A_410 = tpu.memref_squeeze %dma_start3A_409 : memref<1x32x128xf32, #tpu.memory_space<hbm>> -> memref<32x128xf32, #tpu.memory_space<hbm>>
      %dma_start3A_411 = arith.constant 0 : i32
      %dma_start3A_412 = tpu.memref_slice %arg4[%dma_start3A_404, %multiple_of3A, %dma_start3A_411] : memref<32x898x128xf32, #tpu.memory_space<hbm>> -> memref<1x32x128xf32, #tpu.memory_space<hbm>>
      %dma_start3A_413 = tpu.memref_squeeze %dma_start3A_412 : memref<1x32x128xf32, #tpu.memory_space<hbm>> -> memref<32x128xf32, #tpu.memory_space<hbm>>
      %dma_start3A_414 = arith.constant 0 : i32
      %dma_start3A_415 = arith.constant 0 : i32
      %dma_start3A_416 = tpu.memref_slice %arg6[%dma_start3A_414, %dma_start3A_415] : memref<40x128xf32, #tpu.memory_space<vmem>> -> memref<32x128xf32, #tpu.memory_space<vmem>>
      tpu.enqueue_dma source(%dma_start3A_416 : memref<32x128xf32, #tpu.memory_space<vmem>>) target(%dma_start3A_413 : memref<32x128xf32, #tpu.memory_space<hbm>>) target_semaphore(%arg8 : memref<!tpu.dma_semaphore, #tpu.memory_space<semaphore_mem>>)
      %dma_start3A_417 = arith.constant 31 : i32
      %dma_start3A_418 = arith.constant 0 : i32
      %dma_start3A_419 = arith.constant 0 : i32
      %dma_start3A_420 = tpu.memref_slice %arg6[%dma_start3A_418, %dma_start3A_419] : memref<40x128xf32, #tpu.memory_space<vmem>> -> memref<32x128xf32, #tpu.memory_space<vmem>>
      %dma_start3A_421 = arith.constant 0 : i32
      %dma_start3A_422 = tpu.memref_slice %arg4[%dma_start3A_417, %multiple_of3A, %dma_start3A_421] : memref<32x898x128xf32, #tpu.memory_space<hbm>> -> memref<1x32x128xf32, #tpu.memory_space<hbm>>
      %dma_start3A_423 = tpu.memref_squeeze %dma_start3A_422 : memref<1x32x128xf32, #tpu.memory_space<hbm>> -> memref<32x128xf32, #tpu.memory_space<hbm>>
      %dma_start3A_424 = arith.constant 0 : i32
      %dma_start3A_425 = tpu.memref_slice %arg4[%dma_start3A_417, %multiple_of3A, %dma_start3A_424] : memref<32x898x128xf32, #tpu.memory_space<hbm>> -> memref<1x32x128xf32, #tpu.memory_space<hbm>>
      %dma_start3A_426 = tpu.memref_squeeze %dma_start3A_425 : memref<1x32x128xf32, #tpu.memory_space<hbm>> -> memref<32x128xf32, #tpu.memory_space<hbm>>
      %dma_start3A_427 = arith.constant 0 : i32
      %dma_start3A_428 = arith.constant 0 : i32
      %dma_start3A_429 = tpu.memref_slice %arg6[%dma_start3A_427, %dma_start3A_428] : memref<40x128xf32, #tpu.memory_space<vmem>> -> memref<32x128xf32, #tpu.memory_space<vmem>>
      tpu.enqueue_dma source(%dma_start3A_429 : memref<32x128xf32, #tpu.memory_space<vmem>>) target(%dma_start3A_426 : memref<32x128xf32, #tpu.memory_space<hbm>>) target_semaphore(%arg8 : memref<!tpu.dma_semaphore, #tpu.memory_space<semaphore_mem>>)
      %dma_wait3A_430 = arith.constant 0 : i32
      %dma_wait3A_431 = arith.constant 0 : i32
      %dma_wait3A_432 = arith.constant 0 : i32
      %dma_wait3A_433 = tpu.memref_slice %arg6[%dma_wait3A_431, %dma_wait3A_432] : memref<40x128xf32, #tpu.memory_space<vmem>> -> memref<32x128xf32, #tpu.memory_space<vmem>>
      %dma_wait3A_434 = arith.constant 0 : i32
      %dma_wait3A_435 = tpu.memref_slice %arg4[%dma_wait3A_430, %multiple_of3A, %dma_wait3A_434] : memref<32x898x128xf32, #tpu.memory_space<hbm>> -> memref<1x32x128xf32, #tpu.memory_space<hbm>>
      %dma_wait3A_436 = tpu.memref_squeeze %dma_wait3A_435 : memref<1x32x128xf32, #tpu.memory_space<hbm>> -> memref<32x128xf32, #tpu.memory_space<hbm>>
      %dma_wait3A_437 = arith.constant 0 : i32
      %dma_wait3A_438 = tpu.memref_slice %arg4[%dma_wait3A_430, %multiple_of3A, %dma_wait3A_437] : memref<32x898x128xf32, #tpu.memory_space<hbm>> -> memref<1x32x128xf32, #tpu.memory_space<hbm>>
      %dma_wait3A_439 = tpu.memref_squeeze %dma_wait3A_438 : memref<1x32x128xf32, #tpu.memory_space<hbm>> -> memref<32x128xf32, #tpu.memory_space<hbm>>
      %dma_wait3A_440 = arith.constant 0 : i32
      %dma_wait3A_441 = arith.constant 0 : i32
      %dma_wait3A_442 = tpu.memref_slice %arg6[%dma_wait3A_440, %dma_wait3A_441] : memref<40x128xf32, #tpu.memory_space<vmem>> -> memref<32x128xf32, #tpu.memory_space<vmem>>
      tpu.wait_dma2 semaphore(%arg8 : memref<!tpu.dma_semaphore, #tpu.memory_space<semaphore_mem>>) src(%dma_wait3A_442 : memref<32x128xf32, #tpu.memory_space<vmem>>) dst(%dma_wait3A_439 : memref<32x128xf32, #tpu.memory_space<hbm>>)
      %dma_wait3A_443 = arith.constant 1 : i32
      %dma_wait3A_444 = arith.constant 0 : i32
      %dma_wait3A_445 = arith.constant 0 : i32
      %dma_wait3A_446 = tpu.memref_slice %arg6[%dma_wait3A_444, %dma_wait3A_445] : memref<40x128xf32, #tpu.memory_space<vmem>> -> memref<32x128xf32, #tpu.memory_space<vmem>>
      %dma_wait3A_447 = arith.constant 0 : i32
      %dma_wait3A_448 = tpu.memref_slice %arg4[%dma_wait3A_443, %multiple_of3A, %dma_wait3A_447] : memref<32x898x128xf32, #tpu.memory_space<hbm>> -> memref<1x32x128xf32, #tpu.memory_space<hbm>>
      %dma_wait3A_449 = tpu.memref_squeeze %dma_wait3A_448 : memref<1x32x128xf32, #tpu.memory_space<hbm>> -> memref<32x128xf32, #tpu.memory_space<hbm>>
      %dma_wait3A_450 = arith.constant 0 : i32
      %dma_wait3A_451 = tpu.memref_slice %arg4[%dma_wait3A_443, %multiple_of3A, %dma_wait3A_450] : memref<32x898x128xf32, #tpu.memory_space<hbm>> -> memref<1x32x128xf32, #tpu.memory_space<hbm>>
      %dma_wait3A_452 = tpu.memref_squeeze %dma_wait3A_451 : memref<1x32x128xf32, #tpu.memory_space<hbm>> -> memref<32x128xf32, #tpu.memory_space<hbm>>
      %dma_wait3A_453 = arith.constant 0 : i32
      %dma_wait3A_454 = arith.constant 0 : i32
      %dma_wait3A_455 = tpu.memref_slice %arg6[%dma_wait3A_453, %dma_wait3A_454] : memref<40x128xf32, #tpu.memory_space<vmem>> -> memref<32x128xf32, #tpu.memory_space<vmem>>
      tpu.wait_dma2 semaphore(%arg8 : memref<!tpu.dma_semaphore, #tpu.memory_space<semaphore_mem>>) src(%dma_wait3A_455 : memref<32x128xf32, #tpu.memory_space<vmem>>) dst(%dma_wait3A_452 : memref<32x128xf32, #tpu.memory_space<hbm>>)
      %dma_wait3A_456 = arith.constant 2 : i32
      %dma_wait3A_457 = arith.constant 0 : i32
      %dma_wait3A_458 = arith.constant 0 : i32
      %dma_wait3A_459 = tpu.memref_slice %arg6[%dma_wait3A_457, %dma_wait3A_458] : memref<40x128xf32, #tpu.memory_space<vmem>> -> memref<32x128xf32, #tpu.memory_space<vmem>>
      %dma_wait3A_460 = arith.constant 0 : i32
      %dma_wait3A_461 = tpu.memref_slice %arg4[%dma_wait3A_456, %multiple_of3A, %dma_wait3A_460] : memref<32x898x128xf32, #tpu.memory_space<hbm>> -> memref<1x32x128xf32, #tpu.memory_space<hbm>>
      %dma_wait3A_462 = tpu.memref_squeeze %dma_wait3A_461 : memref<1x32x128xf32, #tpu.memory_space<hbm>> -> memref<32x128xf32, #tpu.memory_space<hbm>>
      %dma_wait3A_463 = arith.constant 0 : i32
      %dma_wait3A_464 = tpu.memref_slice %arg4[%dma_wait3A_456, %multiple_of3A, %dma_wait3A_463] : memref<32x898x128xf32, #tpu.memory_space<hbm>> -> memref<1x32x128xf32, #tpu.memory_space<hbm>>
      %dma_wait3A_465 = tpu.memref_squeeze %dma_wait3A_464 : memref<1x32x128xf32, #tpu.memory_space<hbm>> -> memref<32x128xf32, #tpu.memory_space<hbm>>
      %dma_wait3A_466 = arith.constant 0 : i32
      %dma_wait3A_467 = arith.constant 0 : i32
      %dma_wait3A_468 = tpu.memref_slice %arg6[%dma_wait3A_466, %dma_wait3A_467] : memref<40x128xf32, #tpu.memory_space<vmem>> -> memref<32x128xf32, #tpu.memory_space<vmem>>
      tpu.wait_dma2 semaphore(%arg8 : memref<!tpu.dma_semaphore, #tpu.memory_space<semaphore_mem>>) src(%dma_wait3A_468 : memref<32x128xf32, #tpu.memory_space<vmem>>) dst(%dma_wait3A_465 : memref<32x128xf32, #tpu.memory_space<hbm>>)
      %dma_wait3A_469 = arith.constant 3 : i32
      %dma_wait3A_470 = arith.constant 0 : i32
      %dma_wait3A_471 = arith.constant 0 : i32
      %dma_wait3A_472 = tpu.memref_slice %arg6[%dma_wait3A_470, %dma_wait3A_471] : memref<40x128xf32, #tpu.memory_space<vmem>> -> memref<32x128xf32, #tpu.memory_space<vmem>>
      %dma_wait3A_473 = arith.constant 0 : i32
      %dma_wait3A_474 = tpu.memref_slice %arg4[%dma_wait3A_469, %multiple_of3A, %dma_wait3A_473] : memref<32x898x128xf32, #tpu.memory_space<hbm>> -> memref<1x32x128xf32, #tpu.memory_space<hbm>>
      %dma_wait3A_475 = tpu.memref_squeeze %dma_wait3A_474 : memref<1x32x128xf32, #tpu.memory_space<hbm>> -> memref<32x128xf32, #tpu.memory_space<hbm>>
      %dma_wait3A_476 = arith.constant 0 : i32
      %dma_wait3A_477 = tpu.memref_slice %arg4[%dma_wait3A_469, %multiple_of3A, %dma_wait3A_476] : memref<32x898x128xf32, #tpu.memory_space<hbm>> -> memref<1x32x128xf32, #tpu.memory_space<hbm>>
      %dma_wait3A_478 = tpu.memref_squeeze %dma_wait3A_477 : memref<1x32x128xf32, #tpu.memory_space<hbm>> -> memref<32x128xf32, #tpu.memory_space<hbm>>
      %dma_wait3A_479 = arith.constant 0 : i32
      %dma_wait3A_480 = arith.constant 0 : i32
      %dma_wait3A_481 = tpu.memref_slice %arg6[%dma_wait3A_479, %dma_wait3A_480] : memref<40x128xf32, #tpu.memory_space<vmem>> -> memref<32x128xf32, #tpu.memory_space<vmem>>
      tpu.wait_dma2 semaphore(%arg8 : memref<!tpu.dma_semaphore, #tpu.memory_space<semaphore_mem>>) src(%dma_wait3A_481 : memref<32x128xf32, #tpu.memory_space<vmem>>) dst(%dma_wait3A_478 : memref<32x128xf32, #tpu.memory_space<hbm>>)
      %dma_wait3A_482 = arith.constant 4 : i32
      %dma_wait3A_483 = arith.constant 0 : i32
      %dma_wait3A_484 = arith.constant 0 : i32
      %dma_wait3A_485 = tpu.memref_slice %arg6[%dma_wait3A_483, %dma_wait3A_484] : memref<40x128xf32, #tpu.memory_space<vmem>> -> memref<32x128xf32, #tpu.memory_space<vmem>>
      %dma_wait3A_486 = arith.constant 0 : i32
      %dma_wait3A_487 = tpu.memref_slice %arg4[%dma_wait3A_482, %multiple_of3A, %dma_wait3A_486] : memref<32x898x128xf32, #tpu.memory_space<hbm>> -> memref<1x32x128xf32, #tpu.memory_space<hbm>>
      %dma_wait3A_488 = tpu.memref_squeeze %dma_wait3A_487 : memref<1x32x128xf32, #tpu.memory_space<hbm>> -> memref<32x128xf32, #tpu.memory_space<hbm>>
      %dma_wait3A_489 = arith.constant 0 : i32
      %dma_wait3A_490 = tpu.memref_slice %arg4[%dma_wait3A_482, %multiple_of3A, %dma_wait3A_489] : memref<32x898x128xf32, #tpu.memory_space<hbm>> -> memref<1x32x128xf32, #tpu.memory_space<hbm>>
      %dma_wait3A_491 = tpu.memref_squeeze %dma_wait3A_490 : memref<1x32x128xf32, #tpu.memory_space<hbm>> -> memref<32x128xf32, #tpu.memory_space<hbm>>
      %dma_wait3A_492 = arith.constant 0 : i32
      %dma_wait3A_493 = arith.constant 0 : i32
      %dma_wait3A_494 = tpu.memref_slice %arg6[%dma_wait3A_492, %dma_wait3A_493] : memref<40x128xf32, #tpu.memory_space<vmem>> -> memref<32x128xf32, #tpu.memory_space<vmem>>
      tpu.wait_dma2 semaphore(%arg8 : memref<!tpu.dma_semaphore, #tpu.memory_space<semaphore_mem>>) src(%dma_wait3A_494 : memref<32x128xf32, #tpu.memory_space<vmem>>) dst(%dma_wait3A_491 : memref<32x128xf32, #tpu.memory_space<hbm>>)
      %dma_wait3A_495 = arith.constant 5 : i32
      %dma_wait3A_496 = arith.constant 0 : i32
      %dma_wait3A_497 = arith.constant 0 : i32
      %dma_wait3A_498 = tpu.memref_slice %arg6[%dma_wait3A_496, %dma_wait3A_497] : memref<40x128xf32, #tpu.memory_space<vmem>> -> memref<32x128xf32, #tpu.memory_space<vmem>>
      %dma_wait3A_499 = arith.constant 0 : i32
      %dma_wait3A_500 = tpu.memref_slice %arg4[%dma_wait3A_495, %multiple_of3A, %dma_wait3A_499] : memref<32x898x128xf32, #tpu.memory_space<hbm>> -> memref<1x32x128xf32, #tpu.memory_space<hbm>>
      %dma_wait3A_501 = tpu.memref_squeeze %dma_wait3A_500 : memref<1x32x128xf32, #tpu.memory_space<hbm>> -> memref<32x128xf32, #tpu.memory_space<hbm>>
      %dma_wait3A_502 = arith.constant 0 : i32
      %dma_wait3A_503 = tpu.memref_slice %arg4[%dma_wait3A_495, %multiple_of3A, %dma_wait3A_502] : memref<32x898x128xf32, #tpu.memory_space<hbm>> -> memref<1x32x128xf32, #tpu.memory_space<hbm>>
      %dma_wait3A_504 = tpu.memref_squeeze %dma_wait3A_503 : memref<1x32x128xf32, #tpu.memory_space<hbm>> -> memref<32x128xf32, #tpu.memory_space<hbm>>
      %dma_wait3A_505 = arith.constant 0 : i32
      %dma_wait3A_506 = arith.constant 0 : i32
      %dma_wait3A_507 = tpu.memref_slice %arg6[%dma_wait3A_505, %dma_wait3A_506] : memref<40x128xf32, #tpu.memory_space<vmem>> -> memref<32x128xf32, #tpu.memory_space<vmem>>
      tpu.wait_dma2 semaphore(%arg8 : memref<!tpu.dma_semaphore, #tpu.memory_space<semaphore_mem>>) src(%dma_wait3A_507 : memref<32x128xf32, #tpu.memory_space<vmem>>) dst(%dma_wait3A_504 : memref<32x128xf32, #tpu.memory_space<hbm>>)
      %dma_wait3A_508 = arith.constant 6 : i32
      %dma_wait3A_509 = arith.constant 0 : i32
      %dma_wait3A_510 = arith.constant 0 : i32
      %dma_wait3A_511 = tpu.memref_slice %arg6[%dma_wait3A_509, %dma_wait3A_510] : memref<40x128xf32, #tpu.memory_space<vmem>> -> memref<32x128xf32, #tpu.memory_space<vmem>>
      %dma_wait3A_512 = arith.constant 0 : i32
      %dma_wait3A_513 = tpu.memref_slice %arg4[%dma_wait3A_508, %multiple_of3A, %dma_wait3A_512] : memref<32x898x128xf32, #tpu.memory_space<hbm>> -> memref<1x32x128xf32, #tpu.memory_space<hbm>>
      %dma_wait3A_514 = tpu.memref_squeeze %dma_wait3A_513 : memref<1x32x128xf32, #tpu.memory_space<hbm>> -> memref<32x128xf32, #tpu.memory_space<hbm>>
      %dma_wait3A_515 = arith.constant 0 : i32
      %dma_wait3A_516 = tpu.memref_slice %arg4[%dma_wait3A_508, %multiple_of3A, %dma_wait3A_515] : memref<32x898x128xf32, #tpu.memory_space<hbm>> -> memref<1x32x128xf32, #tpu.memory_space<hbm>>
      %dma_wait3A_517 = tpu.memref_squeeze %dma_wait3A_516 : memref<1x32x128xf32, #tpu.memory_space<hbm>> -> memref<32x128xf32, #tpu.memory_space<hbm>>
      %dma_wait3A_518 = arith.constant 0 : i32
      %dma_wait3A_519 = arith.constant 0 : i32
      %dma_wait3A_520 = tpu.memref_slice %arg6[%dma_wait3A_518, %dma_wait3A_519] : memref<40x128xf32, #tpu.memory_space<vmem>> -> memref<32x128xf32, #tpu.memory_space<vmem>>
      tpu.wait_dma2 semaphore(%arg8 : memref<!tpu.dma_semaphore, #tpu.memory_space<semaphore_mem>>) src(%dma_wait3A_520 : memref<32x128xf32, #tpu.memory_space<vmem>>) dst(%dma_wait3A_517 : memref<32x128xf32, #tpu.memory_space<hbm>>)
      %dma_wait3A_521 = arith.constant 7 : i32
      %dma_wait3A_522 = arith.constant 0 : i32
      %dma_wait3A_523 = arith.constant 0 : i32
      %dma_wait3A_524 = tpu.memref_slice %arg6[%dma_wait3A_522, %dma_wait3A_523] : memref<40x128xf32, #tpu.memory_space<vmem>> -> memref<32x128xf32, #tpu.memory_space<vmem>>
      %dma_wait3A_525 = arith.constant 0 : i32
      %dma_wait3A_526 = tpu.memref_slice %arg4[%dma_wait3A_521, %multiple_of3A, %dma_wait3A_525] : memref<32x898x128xf32, #tpu.memory_space<hbm>> -> memref<1x32x128xf32, #tpu.memory_space<hbm>>
      %dma_wait3A_527 = tpu.memref_squeeze %dma_wait3A_526 : memref<1x32x128xf32, #tpu.memory_space<hbm>> -> memref<32x128xf32, #tpu.memory_space<hbm>>
      %dma_wait3A_528 = arith.constant 0 : i32
      %dma_wait3A_529 = tpu.memref_slice %arg4[%dma_wait3A_521, %multiple_of3A, %dma_wait3A_528] : memref<32x898x128xf32, #tpu.memory_space<hbm>> -> memref<1x32x128xf32, #tpu.memory_space<hbm>>
      %dma_wait3A_530 = tpu.memref_squeeze %dma_wait3A_529 : memref<1x32x128xf32, #tpu.memory_space<hbm>> -> memref<32x128xf32, #tpu.memory_space<hbm>>
      %dma_wait3A_531 = arith.constant 0 : i32
      %dma_wait3A_532 = arith.constant 0 : i32
      %dma_wait3A_533 = tpu.memref_slice %arg6[%dma_wait3A_531, %dma_wait3A_532] : memref<40x128xf32, #tpu.memory_space<vmem>> -> memref<32x128xf32, #tpu.memory_space<vmem>>
      tpu.wait_dma2 semaphore(%arg8 : memref<!tpu.dma_semaphore, #tpu.memory_space<semaphore_mem>>) src(%dma_wait3A_533 : memref<32x128xf32, #tpu.memory_space<vmem>>) dst(%dma_wait3A_530 : memref<32x128xf32, #tpu.memory_space<hbm>>)
      %dma_wait3A_534 = arith.constant 8 : i32
      %dma_wait3A_535 = arith.constant 0 : i32
      %dma_wait3A_536 = arith.constant 0 : i32
      %dma_wait3A_537 = tpu.memref_slice %arg6[%dma_wait3A_535, %dma_wait3A_536] : memref<40x128xf32, #tpu.memory_space<vmem>> -> memref<32x128xf32, #tpu.memory_space<vmem>>
      %dma_wait3A_538 = arith.constant 0 : i32
      %dma_wait3A_539 = tpu.memref_slice %arg4[%dma_wait3A_534, %multiple_of3A, %dma_wait3A_538] : memref<32x898x128xf32, #tpu.memory_space<hbm>> -> memref<1x32x128xf32, #tpu.memory_space<hbm>>
      %dma_wait3A_540 = tpu.memref_squeeze %dma_wait3A_539 : memref<1x32x128xf32, #tpu.memory_space<hbm>> -> memref<32x128xf32, #tpu.memory_space<hbm>>
      %dma_wait3A_541 = arith.constant 0 : i32
      %dma_wait3A_542 = tpu.memref_slice %arg4[%dma_wait3A_534, %multiple_of3A, %dma_wait3A_541] : memref<32x898x128xf32, #tpu.memory_space<hbm>> -> memref<1x32x128xf32, #tpu.memory_space<hbm>>
      %dma_wait3A_543 = tpu.memref_squeeze %dma_wait3A_542 : memref<1x32x128xf32, #tpu.memory_space<hbm>> -> memref<32x128xf32, #tpu.memory_space<hbm>>
      %dma_wait3A_544 = arith.constant 0 : i32
      %dma_wait3A_545 = arith.constant 0 : i32
      %dma_wait3A_546 = tpu.memref_slice %arg6[%dma_wait3A_544, %dma_wait3A_545] : memref<40x128xf32, #tpu.memory_space<vmem>> -> memref<32x128xf32, #tpu.memory_space<vmem>>
      tpu.wait_dma2 semaphore(%arg8 : memref<!tpu.dma_semaphore, #tpu.memory_space<semaphore_mem>>) src(%dma_wait3A_546 : memref<32x128xf32, #tpu.memory_space<vmem>>) dst(%dma_wait3A_543 : memref<32x128xf32, #tpu.memory_space<hbm>>)
      %dma_wait3A_547 = arith.constant 9 : i32
      %dma_wait3A_548 = arith.constant 0 : i32
      %dma_wait3A_549 = arith.constant 0 : i32
      %dma_wait3A_550 = tpu.memref_slice %arg6[%dma_wait3A_548, %dma_wait3A_549] : memref<40x128xf32, #tpu.memory_space<vmem>> -> memref<32x128xf32, #tpu.memory_space<vmem>>
      %dma_wait3A_551 = arith.constant 0 : i32
      %dma_wait3A_552 = tpu.memref_slice %arg4[%dma_wait3A_547, %multiple_of3A, %dma_wait3A_551] : memref<32x898x128xf32, #tpu.memory_space<hbm>> -> memref<1x32x128xf32, #tpu.memory_space<hbm>>
      %dma_wait3A_553 = tpu.memref_squeeze %dma_wait3A_552 : memref<1x32x128xf32, #tpu.memory_space<hbm>> -> memref<32x128xf32, #tpu.memory_space<hbm>>
      %dma_wait3A_554 = arith.constant 0 : i32
      %dma_wait3A_555 = tpu.memref_slice %arg4[%dma_wait3A_547, %multiple_of3A, %dma_wait3A_554] : memref<32x898x128xf32, #tpu.memory_space<hbm>> -> memref<1x32x128xf32, #tpu.memory_space<hbm>>
      %dma_wait3A_556 = tpu.memref_squeeze %dma_wait3A_555 : memref<1x32x128xf32, #tpu.memory_space<hbm>> -> memref<32x128xf32, #tpu.memory_space<hbm>>
      %dma_wait3A_557 = arith.constant 0 : i32
      %dma_wait3A_558 = arith.constant 0 : i32
      %dma_wait3A_559 = tpu.memref_slice %arg6[%dma_wait3A_557, %dma_wait3A_558] : memref<40x128xf32, #tpu.memory_space<vmem>> -> memref<32x128xf32, #tpu.memory_space<vmem>>
      tpu.wait_dma2 semaphore(%arg8 : memref<!tpu.dma_semaphore, #tpu.memory_space<semaphore_mem>>) src(%dma_wait3A_559 : memref<32x128xf32, #tpu.memory_space<vmem>>) dst(%dma_wait3A_556 : memref<32x128xf32, #tpu.memory_space<hbm>>)
      %dma_wait3A_560 = arith.constant 10 : i32
      %dma_wait3A_561 = arith.constant 0 : i32
      %dma_wait3A_562 = arith.constant 0 : i32
      %dma_wait3A_563 = tpu.memref_slice %arg6[%dma_wait3A_561, %dma_wait3A_562] : memref<40x128xf32, #tpu.memory_space<vmem>> -> memref<32x128xf32, #tpu.memory_space<vmem>>
      %dma_wait3A_564 = arith.constant 0 : i32
      %dma_wait3A_565 = tpu.memref_slice %arg4[%dma_wait3A_560, %multiple_of3A, %dma_wait3A_564] : memref<32x898x128xf32, #tpu.memory_space<hbm>> -> memref<1x32x128xf32, #tpu.memory_space<hbm>>
      %dma_wait3A_566 = tpu.memref_squeeze %dma_wait3A_565 : memref<1x32x128xf32, #tpu.memory_space<hbm>> -> memref<32x128xf32, #tpu.memory_space<hbm>>
      %dma_wait3A_567 = arith.constant 0 : i32
      %dma_wait3A_568 = tpu.memref_slice %arg4[%dma_wait3A_560, %multiple_of3A, %dma_wait3A_567] : memref<32x898x128xf32, #tpu.memory_space<hbm>> -> memref<1x32x128xf32, #tpu.memory_space<hbm>>
      %dma_wait3A_569 = tpu.memref_squeeze %dma_wait3A_568 : memref<1x32x128xf32, #tpu.memory_space<hbm>> -> memref<32x128xf32, #tpu.memory_space<hbm>>
      %dma_wait3A_570 = arith.constant 0 : i32
      %dma_wait3A_571 = arith.constant 0 : i32
      %dma_wait3A_572 = tpu.memref_slice %arg6[%dma_wait3A_570, %dma_wait3A_571] : memref<40x128xf32, #tpu.memory_space<vmem>> -> memref<32x128xf32, #tpu.memory_space<vmem>>
      tpu.wait_dma2 semaphore(%arg8 : memref<!tpu.dma_semaphore, #tpu.memory_space<semaphore_mem>>) src(%dma_wait3A_572 : memref<32x128xf32, #tpu.memory_space<vmem>>) dst(%dma_wait3A_569 : memref<32x128xf32, #tpu.memory_space<hbm>>)
      %dma_wait3A_573 = arith.constant 11 : i32
      %dma_wait3A_574 = arith.constant 0 : i32
      %dma_wait3A_575 = arith.constant 0 : i32
      %dma_wait3A_576 = tpu.memref_slice %arg6[%dma_wait3A_574, %dma_wait3A_575] : memref<40x128xf32, #tpu.memory_space<vmem>> -> memref<32x128xf32, #tpu.memory_space<vmem>>
      %dma_wait3A_577 = arith.constant 0 : i32
      %dma_wait3A_578 = tpu.memref_slice %arg4[%dma_wait3A_573, %multiple_of3A, %dma_wait3A_577] : memref<32x898x128xf32, #tpu.memory_space<hbm>> -> memref<1x32x128xf32, #tpu.memory_space<hbm>>
      %dma_wait3A_579 = tpu.memref_squeeze %dma_wait3A_578 : memref<1x32x128xf32, #tpu.memory_space<hbm>> -> memref<32x128xf32, #tpu.memory_space<hbm>>
      %dma_wait3A_580 = arith.constant 0 : i32
      %dma_wait3A_581 = tpu.memref_slice %arg4[%dma_wait3A_573, %multiple_of3A, %dma_wait3A_580] : memref<32x898x128xf32, #tpu.memory_space<hbm>> -> memref<1x32x128xf32, #tpu.memory_space<hbm>>
      %dma_wait3A_582 = tpu.memref_squeeze %dma_wait3A_581 : memref<1x32x128xf32, #tpu.memory_space<hbm>> -> memref<32x128xf32, #tpu.memory_space<hbm>>
      %dma_wait3A_583 = arith.constant 0 : i32
      %dma_wait3A_584 = arith.constant 0 : i32
      %dma_wait3A_585 = tpu.memref_slice %arg6[%dma_wait3A_583, %dma_wait3A_584] : memref<40x128xf32, #tpu.memory_space<vmem>> -> memref<32x128xf32, #tpu.memory_space<vmem>>
      tpu.wait_dma2 semaphore(%arg8 : memref<!tpu.dma_semaphore, #tpu.memory_space<semaphore_mem>>) src(%dma_wait3A_585 : memref<32x128xf32, #tpu.memory_space<vmem>>) dst(%dma_wait3A_582 : memref<32x128xf32, #tpu.memory_space<hbm>>)
      %dma_wait3A_586 = arith.constant 12 : i32
      %dma_wait3A_587 = arith.constant 0 : i32
      %dma_wait3A_588 = arith.constant 0 : i32
      %dma_wait3A_589 = tpu.memref_slice %arg6[%dma_wait3A_587, %dma_wait3A_588] : memref<40x128xf32, #tpu.memory_space<vmem>> -> memref<32x128xf32, #tpu.memory_space<vmem>>
      %dma_wait3A_590 = arith.constant 0 : i32
      %dma_wait3A_591 = tpu.memref_slice %arg4[%dma_wait3A_586, %multiple_of3A, %dma_wait3A_590] : memref<32x898x128xf32, #tpu.memory_space<hbm>> -> memref<1x32x128xf32, #tpu.memory_space<hbm>>
      %dma_wait3A_592 = tpu.memref_squeeze %dma_wait3A_591 : memref<1x32x128xf32, #tpu.memory_space<hbm>> -> memref<32x128xf32, #tpu.memory_space<hbm>>
      %dma_wait3A_593 = arith.constant 0 : i32
      %dma_wait3A_594 = tpu.memref_slice %arg4[%dma_wait3A_586, %multiple_of3A, %dma_wait3A_593] : memref<32x898x128xf32, #tpu.memory_space<hbm>> -> memref<1x32x128xf32, #tpu.memory_space<hbm>>
      %dma_wait3A_595 = tpu.memref_squeeze %dma_wait3A_594 : memref<1x32x128xf32, #tpu.memory_space<hbm>> -> memref<32x128xf32, #tpu.memory_space<hbm>>
      %dma_wait3A_596 = arith.constant 0 : i32
      %dma_wait3A_597 = arith.constant 0 : i32
      %dma_wait3A_598 = tpu.memref_slice %arg6[%dma_wait3A_596, %dma_wait3A_597] : memref<40x128xf32, #tpu.memory_space<vmem>> -> memref<32x128xf32, #tpu.memory_space<vmem>>
      tpu.wait_dma2 semaphore(%arg8 : memref<!tpu.dma_semaphore, #tpu.memory_space<semaphore_mem>>) src(%dma_wait3A_598 : memref<32x128xf32, #tpu.memory_space<vmem>>) dst(%dma_wait3A_595 : memref<32x128xf32, #tpu.memory_space<hbm>>)
      %dma_wait3A_599 = arith.constant 13 : i32
      %dma_wait3A_600 = arith.constant 0 : i32
      %dma_wait3A_601 = arith.constant 0 : i32
      %dma_wait3A_602 = tpu.memref_slice %arg6[%dma_wait3A_600, %dma_wait3A_601] : memref<40x128xf32, #tpu.memory_space<vmem>> -> memref<32x128xf32, #tpu.memory_space<vmem>>
      %dma_wait3A_603 = arith.constant 0 : i32
      %dma_wait3A_604 = tpu.memref_slice %arg4[%dma_wait3A_599, %multiple_of3A, %dma_wait3A_603] : memref<32x898x128xf32, #tpu.memory_space<hbm>> -> memref<1x32x128xf32, #tpu.memory_space<hbm>>
      %dma_wait3A_605 = tpu.memref_squeeze %dma_wait3A_604 : memref<1x32x128xf32, #tpu.memory_space<hbm>> -> memref<32x128xf32, #tpu.memory_space<hbm>>
      %dma_wait3A_606 = arith.constant 0 : i32
      %dma_wait3A_607 = tpu.memref_slice %arg4[%dma_wait3A_599, %multiple_of3A, %dma_wait3A_606] : memref<32x898x128xf32, #tpu.memory_space<hbm>> -> memref<1x32x128xf32, #tpu.memory_space<hbm>>
      %dma_wait3A_608 = tpu.memref_squeeze %dma_wait3A_607 : memref<1x32x128xf32, #tpu.memory_space<hbm>> -> memref<32x128xf32, #tpu.memory_space<hbm>>
      %dma_wait3A_609 = arith.constant 0 : i32
      %dma_wait3A_610 = arith.constant 0 : i32
      %dma_wait3A_611 = tpu.memref_slice %arg6[%dma_wait3A_609, %dma_wait3A_610] : memref<40x128xf32, #tpu.memory_space<vmem>> -> memref<32x128xf32, #tpu.memory_space<vmem>>
      tpu.wait_dma2 semaphore(%arg8 : memref<!tpu.dma_semaphore, #tpu.memory_space<semaphore_mem>>) src(%dma_wait3A_611 : memref<32x128xf32, #tpu.memory_space<vmem>>) dst(%dma_wait3A_608 : memref<32x128xf32, #tpu.memory_space<hbm>>)
      %dma_wait3A_612 = arith.constant 14 : i32
      %dma_wait3A_613 = arith.constant 0 : i32
      %dma_wait3A_614 = arith.constant 0 : i32
      %dma_wait3A_615 = tpu.memref_slice %arg6[%dma_wait3A_613, %dma_wait3A_614] : memref<40x128xf32, #tpu.memory_space<vmem>> -> memref<32x128xf32, #tpu.memory_space<vmem>>
      %dma_wait3A_616 = arith.constant 0 : i32
      %dma_wait3A_617 = tpu.memref_slice %arg4[%dma_wait3A_612, %multiple_of3A, %dma_wait3A_616] : memref<32x898x128xf32, #tpu.memory_space<hbm>> -> memref<1x32x128xf32, #tpu.memory_space<hbm>>
      %dma_wait3A_618 = tpu.memref_squeeze %dma_wait3A_617 : memref<1x32x128xf32, #tpu.memory_space<hbm>> -> memref<32x128xf32, #tpu.memory_space<hbm>>
      %dma_wait3A_619 = arith.constant 0 : i32
      %dma_wait3A_620 = tpu.memref_slice %arg4[%dma_wait3A_612, %multiple_of3A, %dma_wait3A_619] : memref<32x898x128xf32, #tpu.memory_space<hbm>> -> memref<1x32x128xf32, #tpu.memory_space<hbm>>
      %dma_wait3A_621 = tpu.memref_squeeze %dma_wait3A_620 : memref<1x32x128xf32, #tpu.memory_space<hbm>> -> memref<32x128xf32, #tpu.memory_space<hbm>>
      %dma_wait3A_622 = arith.constant 0 : i32
      %dma_wait3A_623 = arith.constant 0 : i32
      %dma_wait3A_624 = tpu.memref_slice %arg6[%dma_wait3A_622, %dma_wait3A_623] : memref<40x128xf32, #tpu.memory_space<vmem>> -> memref<32x128xf32, #tpu.memory_space<vmem>>
      tpu.wait_dma2 semaphore(%arg8 : memref<!tpu.dma_semaphore, #tpu.memory_space<semaphore_mem>>) src(%dma_wait3A_624 : memref<32x128xf32, #tpu.memory_space<vmem>>) dst(%dma_wait3A_621 : memref<32x128xf32, #tpu.memory_space<hbm>>)
      %dma_wait3A_625 = arith.constant 15 : i32
      %dma_wait3A_626 = arith.constant 0 : i32
      %dma_wait3A_627 = arith.constant 0 : i32
      %dma_wait3A_628 = tpu.memref_slice %arg6[%dma_wait3A_626, %dma_wait3A_627] : memref<40x128xf32, #tpu.memory_space<vmem>> -> memref<32x128xf32, #tpu.memory_space<vmem>>
      %dma_wait3A_629 = arith.constant 0 : i32
      %dma_wait3A_630 = tpu.memref_slice %arg4[%dma_wait3A_625, %multiple_of3A, %dma_wait3A_629] : memref<32x898x128xf32, #tpu.memory_space<hbm>> -> memref<1x32x128xf32, #tpu.memory_space<hbm>>
      %dma_wait3A_631 = tpu.memref_squeeze %dma_wait3A_630 : memref<1x32x128xf32, #tpu.memory_space<hbm>> -> memref<32x128xf32, #tpu.memory_space<hbm>>
      %dma_wait3A_632 = arith.constant 0 : i32
      %dma_wait3A_633 = tpu.memref_slice %arg4[%dma_wait3A_625, %multiple_of3A, %dma_wait3A_632] : memref<32x898x128xf32, #tpu.memory_space<hbm>> -> memref<1x32x128xf32, #tpu.memory_space<hbm>>
      %dma_wait3A_634 = tpu.memref_squeeze %dma_wait3A_633 : memref<1x32x128xf32, #tpu.memory_space<hbm>> -> memref<32x128xf32, #tpu.memory_space<hbm>>
      %dma_wait3A_635 = arith.constant 0 : i32
      %dma_wait3A_636 = arith.constant 0 : i32
      %dma_wait3A_637 = tpu.memref_slice %arg6[%dma_wait3A_635, %dma_wait3A_636] : memref<40x128xf32, #tpu.memory_space<vmem>> -> memref<32x128xf32, #tpu.memory_space<vmem>>
      tpu.wait_dma2 semaphore(%arg8 : memref<!tpu.dma_semaphore, #tpu.memory_space<semaphore_mem>>) src(%dma_wait3A_637 : memref<32x128xf32, #tpu.memory_space<vmem>>) dst(%dma_wait3A_634 : memref<32x128xf32, #tpu.memory_space<hbm>>)
      %dma_wait3A_638 = arith.constant 16 : i32
      %dma_wait3A_639 = arith.constant 0 : i32
      %dma_wait3A_640 = arith.constant 0 : i32
      %dma_wait3A_641 = tpu.memref_slice %arg6[%dma_wait3A_639, %dma_wait3A_640] : memref<40x128xf32, #tpu.memory_space<vmem>> -> memref<32x128xf32, #tpu.memory_space<vmem>>
      %dma_wait3A_642 = arith.constant 0 : i32
      %dma_wait3A_643 = tpu.memref_slice %arg4[%dma_wait3A_638, %multiple_of3A, %dma_wait3A_642] : memref<32x898x128xf32, #tpu.memory_space<hbm>> -> memref<1x32x128xf32, #tpu.memory_space<hbm>>
      %dma_wait3A_644 = tpu.memref_squeeze %dma_wait3A_643 : memref<1x32x128xf32, #tpu.memory_space<hbm>> -> memref<32x128xf32, #tpu.memory_space<hbm>>
      %dma_wait3A_645 = arith.constant 0 : i32
      %dma_wait3A_646 = tpu.memref_slice %arg4[%dma_wait3A_638, %multiple_of3A, %dma_wait3A_645] : memref<32x898x128xf32, #tpu.memory_space<hbm>> -> memref<1x32x128xf32, #tpu.memory_space<hbm>>
      %dma_wait3A_647 = tpu.memref_squeeze %dma_wait3A_646 : memref<1x32x128xf32, #tpu.memory_space<hbm>> -> memref<32x128xf32, #tpu.memory_space<hbm>>
      %dma_wait3A_648 = arith.constant 0 : i32
      %dma_wait3A_649 = arith.constant 0 : i32
      %dma_wait3A_650 = tpu.memref_slice %arg6[%dma_wait3A_648, %dma_wait3A_649] : memref<40x128xf32, #tpu.memory_space<vmem>> -> memref<32x128xf32, #tpu.memory_space<vmem>>
      tpu.wait_dma2 semaphore(%arg8 : memref<!tpu.dma_semaphore, #tpu.memory_space<semaphore_mem>>) src(%dma_wait3A_650 : memref<32x128xf32, #tpu.memory_space<vmem>>) dst(%dma_wait3A_647 : memref<32x128xf32, #tpu.memory_space<hbm>>)
      %dma_wait3A_651 = arith.constant 17 : i32
      %dma_wait3A_652 = arith.constant 0 : i32
      %dma_wait3A_653 = arith.constant 0 : i32
      %dma_wait3A_654 = tpu.memref_slice %arg6[%dma_wait3A_652, %dma_wait3A_653] : memref<40x128xf32, #tpu.memory_space<vmem>> -> memref<32x128xf32, #tpu.memory_space<vmem>>
      %dma_wait3A_655 = arith.constant 0 : i32
      %dma_wait3A_656 = tpu.memref_slice %arg4[%dma_wait3A_651, %multiple_of3A, %dma_wait3A_655] : memref<32x898x128xf32, #tpu.memory_space<hbm>> -> memref<1x32x128xf32, #tpu.memory_space<hbm>>
      %dma_wait3A_657 = tpu.memref_squeeze %dma_wait3A_656 : memref<1x32x128xf32, #tpu.memory_space<hbm>> -> memref<32x128xf32, #tpu.memory_space<hbm>>
      %dma_wait3A_658 = arith.constant 0 : i32
      %dma_wait3A_659 = tpu.memref_slice %arg4[%dma_wait3A_651, %multiple_of3A, %dma_wait3A_658] : memref<32x898x128xf32, #tpu.memory_space<hbm>> -> memref<1x32x128xf32, #tpu.memory_space<hbm>>
      %dma_wait3A_660 = tpu.memref_squeeze %dma_wait3A_659 : memref<1x32x128xf32, #tpu.memory_space<hbm>> -> memref<32x128xf32, #tpu.memory_space<hbm>>
      %dma_wait3A_661 = arith.constant 0 : i32
      %dma_wait3A_662 = arith.constant 0 : i32
      %dma_wait3A_663 = tpu.memref_slice %arg6[%dma_wait3A_661, %dma_wait3A_662] : memref<40x128xf32, #tpu.memory_space<vmem>> -> memref<32x128xf32, #tpu.memory_space<vmem>>
      tpu.wait_dma2 semaphore(%arg8 : memref<!tpu.dma_semaphore, #tpu.memory_space<semaphore_mem>>) src(%dma_wait3A_663 : memref<32x128xf32, #tpu.memory_space<vmem>>) dst(%dma_wait3A_660 : memref<32x128xf32, #tpu.memory_space<hbm>>)
      %dma_wait3A_664 = arith.constant 18 : i32
      %dma_wait3A_665 = arith.constant 0 : i32
      %dma_wait3A_666 = arith.constant 0 : i32
      %dma_wait3A_667 = tpu.memref_slice %arg6[%dma_wait3A_665, %dma_wait3A_666] : memref<40x128xf32, #tpu.memory_space<vmem>> -> memref<32x128xf32, #tpu.memory_space<vmem>>
      %dma_wait3A_668 = arith.constant 0 : i32
      %dma_wait3A_669 = tpu.memref_slice %arg4[%dma_wait3A_664, %multiple_of3A, %dma_wait3A_668] : memref<32x898x128xf32, #tpu.memory_space<hbm>> -> memref<1x32x128xf32, #tpu.memory_space<hbm>>
      %dma_wait3A_670 = tpu.memref_squeeze %dma_wait3A_669 : memref<1x32x128xf32, #tpu.memory_space<hbm>> -> memref<32x128xf32, #tpu.memory_space<hbm>>
      %dma_wait3A_671 = arith.constant 0 : i32
      %dma_wait3A_672 = tpu.memref_slice %arg4[%dma_wait3A_664, %multiple_of3A, %dma_wait3A_671] : memref<32x898x128xf32, #tpu.memory_space<hbm>> -> memref<1x32x128xf32, #tpu.memory_space<hbm>>
      %dma_wait3A_673 = tpu.memref_squeeze %dma_wait3A_672 : memref<1x32x128xf32, #tpu.memory_space<hbm>> -> memref<32x128xf32, #tpu.memory_space<hbm>>
      %dma_wait3A_674 = arith.constant 0 : i32
      %dma_wait3A_675 = arith.constant 0 : i32
      %dma_wait3A_676 = tpu.memref_slice %arg6[%dma_wait3A_674, %dma_wait3A_675] : memref<40x128xf32, #tpu.memory_space<vmem>> -> memref<32x128xf32, #tpu.memory_space<vmem>>
      tpu.wait_dma2 semaphore(%arg8 : memref<!tpu.dma_semaphore, #tpu.memory_space<semaphore_mem>>) src(%dma_wait3A_676 : memref<32x128xf32, #tpu.memory_space<vmem>>) dst(%dma_wait3A_673 : memref<32x128xf32, #tpu.memory_space<hbm>>)
      %dma_wait3A_677 = arith.constant 19 : i32
      %dma_wait3A_678 = arith.constant 0 : i32
      %dma_wait3A_679 = arith.constant 0 : i32
      %dma_wait3A_680 = tpu.memref_slice %arg6[%dma_wait3A_678, %dma_wait3A_679] : memref<40x128xf32, #tpu.memory_space<vmem>> -> memref<32x128xf32, #tpu.memory_space<vmem>>
      %dma_wait3A_681 = arith.constant 0 : i32
      %dma_wait3A_682 = tpu.memref_slice %arg4[%dma_wait3A_677, %multiple_of3A, %dma_wait3A_681] : memref<32x898x128xf32, #tpu.memory_space<hbm>> -> memref<1x32x128xf32, #tpu.memory_space<hbm>>
      %dma_wait3A_683 = tpu.memref_squeeze %dma_wait3A_682 : memref<1x32x128xf32, #tpu.memory_space<hbm>> -> memref<32x128xf32, #tpu.memory_space<hbm>>
      %dma_wait3A_684 = arith.constant 0 : i32
      %dma_wait3A_685 = tpu.memref_slice %arg4[%dma_wait3A_677, %multiple_of3A, %dma_wait3A_684] : memref<32x898x128xf32, #tpu.memory_space<hbm>> -> memref<1x32x128xf32, #tpu.memory_space<hbm>>
      %dma_wait3A_686 = tpu.memref_squeeze %dma_wait3A_685 : memref<1x32x128xf32, #tpu.memory_space<hbm>> -> memref<32x128xf32, #tpu.memory_space<hbm>>
      %dma_wait3A_687 = arith.constant 0 : i32
      %dma_wait3A_688 = arith.constant 0 : i32
      %dma_wait3A_689 = tpu.memref_slice %arg6[%dma_wait3A_687, %dma_wait3A_688] : memref<40x128xf32, #tpu.memory_space<vmem>> -> memref<32x128xf32, #tpu.memory_space<vmem>>
      tpu.wait_dma2 semaphore(%arg8 : memref<!tpu.dma_semaphore, #tpu.memory_space<semaphore_mem>>) src(%dma_wait3A_689 : memref<32x128xf32, #tpu.memory_space<vmem>>) dst(%dma_wait3A_686 : memref<32x128xf32, #tpu.memory_space<hbm>>)
      %dma_wait3A_690 = arith.constant 20 : i32
      %dma_wait3A_691 = arith.constant 0 : i32
      %dma_wait3A_692 = arith.constant 0 : i32
      %dma_wait3A_693 = tpu.memref_slice %arg6[%dma_wait3A_691, %dma_wait3A_692] : memref<40x128xf32, #tpu.memory_space<vmem>> -> memref<32x128xf32, #tpu.memory_space<vmem>>
      %dma_wait3A_694 = arith.constant 0 : i32
      %dma_wait3A_695 = tpu.memref_slice %arg4[%dma_wait3A_690, %multiple_of3A, %dma_wait3A_694] : memref<32x898x128xf32, #tpu.memory_space<hbm>> -> memref<1x32x128xf32, #tpu.memory_space<hbm>>
      %dma_wait3A_696 = tpu.memref_squeeze %dma_wait3A_695 : memref<1x32x128xf32, #tpu.memory_space<hbm>> -> memref<32x128xf32, #tpu.memory_space<hbm>>
      %dma_wait3A_697 = arith.constant 0 : i32
      %dma_wait3A_698 = tpu.memref_slice %arg4[%dma_wait3A_690, %multiple_of3A, %dma_wait3A_697] : memref<32x898x128xf32, #tpu.memory_space<hbm>> -> memref<1x32x128xf32, #tpu.memory_space<hbm>>
      %dma_wait3A_699 = tpu.memref_squeeze %dma_wait3A_698 : memref<1x32x128xf32, #tpu.memory_space<hbm>> -> memref<32x128xf32, #tpu.memory_space<hbm>>
      %dma_wait3A_700 = arith.constant 0 : i32
      %dma_wait3A_701 = arith.constant 0 : i32
      %dma_wait3A_702 = tpu.memref_slice %arg6[%dma_wait3A_700, %dma_wait3A_701] : memref<40x128xf32, #tpu.memory_space<vmem>> -> memref<32x128xf32, #tpu.memory_space<vmem>>
      tpu.wait_dma2 semaphore(%arg8 : memref<!tpu.dma_semaphore, #tpu.memory_space<semaphore_mem>>) src(%dma_wait3A_702 : memref<32x128xf32, #tpu.memory_space<vmem>>) dst(%dma_wait3A_699 : memref<32x128xf32, #tpu.memory_space<hbm>>)
      %dma_wait3A_703 = arith.constant 21 : i32
      %dma_wait3A_704 = arith.constant 0 : i32
      %dma_wait3A_705 = arith.constant 0 : i32
      %dma_wait3A_706 = tpu.memref_slice %arg6[%dma_wait3A_704, %dma_wait3A_705] : memref<40x128xf32, #tpu.memory_space<vmem>> -> memref<32x128xf32, #tpu.memory_space<vmem>>
      %dma_wait3A_707 = arith.constant 0 : i32
      %dma_wait3A_708 = tpu.memref_slice %arg4[%dma_wait3A_703, %multiple_of3A, %dma_wait3A_707] : memref<32x898x128xf32, #tpu.memory_space<hbm>> -> memref<1x32x128xf32, #tpu.memory_space<hbm>>
      %dma_wait3A_709 = tpu.memref_squeeze %dma_wait3A_708 : memref<1x32x128xf32, #tpu.memory_space<hbm>> -> memref<32x128xf32, #tpu.memory_space<hbm>>
      %dma_wait3A_710 = arith.constant 0 : i32
      %dma_wait3A_711 = tpu.memref_slice %arg4[%dma_wait3A_703, %multiple_of3A, %dma_wait3A_710] : memref<32x898x128xf32, #tpu.memory_space<hbm>> -> memref<1x32x128xf32, #tpu.memory_space<hbm>>
      %dma_wait3A_712 = tpu.memref_squeeze %dma_wait3A_711 : memref<1x32x128xf32, #tpu.memory_space<hbm>> -> memref<32x128xf32, #tpu.memory_space<hbm>>
      %dma_wait3A_713 = arith.constant 0 : i32
      %dma_wait3A_714 = arith.constant 0 : i32
      %dma_wait3A_715 = tpu.memref_slice %arg6[%dma_wait3A_713, %dma_wait3A_714] : memref<40x128xf32, #tpu.memory_space<vmem>> -> memref<32x128xf32, #tpu.memory_space<vmem>>
      tpu.wait_dma2 semaphore(%arg8 : memref<!tpu.dma_semaphore, #tpu.memory_space<semaphore_mem>>) src(%dma_wait3A_715 : memref<32x128xf32, #tpu.memory_space<vmem>>) dst(%dma_wait3A_712 : memref<32x128xf32, #tpu.memory_space<hbm>>)
      %dma_wait3A_716 = arith.constant 22 : i32
      %dma_wait3A_717 = arith.constant 0 : i32
      %dma_wait3A_718 = arith.constant 0 : i32
      %dma_wait3A_719 = tpu.memref_slice %arg6[%dma_wait3A_717, %dma_wait3A_718] : memref<40x128xf32, #tpu.memory_space<vmem>> -> memref<32x128xf32, #tpu.memory_space<vmem>>
      %dma_wait3A_720 = arith.constant 0 : i32
      %dma_wait3A_721 = tpu.memref_slice %arg4[%dma_wait3A_716, %multiple_of3A, %dma_wait3A_720] : memref<32x898x128xf32, #tpu.memory_space<hbm>> -> memref<1x32x128xf32, #tpu.memory_space<hbm>>
      %dma_wait3A_722 = tpu.memref_squeeze %dma_wait3A_721 : memref<1x32x128xf32, #tpu.memory_space<hbm>> -> memref<32x128xf32, #tpu.memory_space<hbm>>
      %dma_wait3A_723 = arith.constant 0 : i32
      %dma_wait3A_724 = tpu.memref_slice %arg4[%dma_wait3A_716, %multiple_of3A, %dma_wait3A_723] : memref<32x898x128xf32, #tpu.memory_space<hbm>> -> memref<1x32x128xf32, #tpu.memory_space<hbm>>
      %dma_wait3A_725 = tpu.memref_squeeze %dma_wait3A_724 : memref<1x32x128xf32, #tpu.memory_space<hbm>> -> memref<32x128xf32, #tpu.memory_space<hbm>>
      %dma_wait3A_726 = arith.constant 0 : i32
      %dma_wait3A_727 = arith.constant 0 : i32
      %dma_wait3A_728 = tpu.memref_slice %arg6[%dma_wait3A_726, %dma_wait3A_727] : memref<40x128xf32, #tpu.memory_space<vmem>> -> memref<32x128xf32, #tpu.memory_space<vmem>>
      tpu.wait_dma2 semaphore(%arg8 : memref<!tpu.dma_semaphore, #tpu.memory_space<semaphore_mem>>) src(%dma_wait3A_728 : memref<32x128xf32, #tpu.memory_space<vmem>>) dst(%dma_wait3A_725 : memref<32x128xf32, #tpu.memory_space<hbm>>)
      %dma_wait3A_729 = arith.constant 23 : i32
      %dma_wait3A_730 = arith.constant 0 : i32
      %dma_wait3A_731 = arith.constant 0 : i32
      %dma_wait3A_732 = tpu.memref_slice %arg6[%dma_wait3A_730, %dma_wait3A_731] : memref<40x128xf32, #tpu.memory_space<vmem>> -> memref<32x128xf32, #tpu.memory_space<vmem>>
      %dma_wait3A_733 = arith.constant 0 : i32
      %dma_wait3A_734 = tpu.memref_slice %arg4[%dma_wait3A_729, %multiple_of3A, %dma_wait3A_733] : memref<32x898x128xf32, #tpu.memory_space<hbm>> -> memref<1x32x128xf32, #tpu.memory_space<hbm>>
      %dma_wait3A_735 = tpu.memref_squeeze %dma_wait3A_734 : memref<1x32x128xf32, #tpu.memory_space<hbm>> -> memref<32x128xf32, #tpu.memory_space<hbm>>
      %dma_wait3A_736 = arith.constant 0 : i32
      %dma_wait3A_737 = tpu.memref_slice %arg4[%dma_wait3A_729, %multiple_of3A, %dma_wait3A_736] : memref<32x898x128xf32, #tpu.memory_space<hbm>> -> memref<1x32x128xf32, #tpu.memory_space<hbm>>
      %dma_wait3A_738 = tpu.memref_squeeze %dma_wait3A_737 : memref<1x32x128xf32, #tpu.memory_space<hbm>> -> memref<32x128xf32, #tpu.memory_space<hbm>>
      %dma_wait3A_739 = arith.constant 0 : i32
      %dma_wait3A_740 = arith.constant 0 : i32
      %dma_wait3A_741 = tpu.memref_slice %arg6[%dma_wait3A_739, %dma_wait3A_740] : memref<40x128xf32, #tpu.memory_space<vmem>> -> memref<32x128xf32, #tpu.memory_space<vmem>>
      tpu.wait_dma2 semaphore(%arg8 : memref<!tpu.dma_semaphore, #tpu.memory_space<semaphore_mem>>) src(%dma_wait3A_741 : memref<32x128xf32, #tpu.memory_space<vmem>>) dst(%dma_wait3A_738 : memref<32x128xf32, #tpu.memory_space<hbm>>)
      %dma_wait3A_742 = arith.constant 24 : i32
      %dma_wait3A_743 = arith.constant 0 : i32
      %dma_wait3A_744 = arith.constant 0 : i32
      %dma_wait3A_745 = tpu.memref_slice %arg6[%dma_wait3A_743, %dma_wait3A_744] : memref<40x128xf32, #tpu.memory_space<vmem>> -> memref<32x128xf32, #tpu.memory_space<vmem>>
      %dma_wait3A_746 = arith.constant 0 : i32
      %dma_wait3A_747 = tpu.memref_slice %arg4[%dma_wait3A_742, %multiple_of3A, %dma_wait3A_746] : memref<32x898x128xf32, #tpu.memory_space<hbm>> -> memref<1x32x128xf32, #tpu.memory_space<hbm>>
      %dma_wait3A_748 = tpu.memref_squeeze %dma_wait3A_747 : memref<1x32x128xf32, #tpu.memory_space<hbm>> -> memref<32x128xf32, #tpu.memory_space<hbm>>
      %dma_wait3A_749 = arith.constant 0 : i32
      %dma_wait3A_750 = tpu.memref_slice %arg4[%dma_wait3A_742, %multiple_of3A, %dma_wait3A_749] : memref<32x898x128xf32, #tpu.memory_space<hbm>> -> memref<1x32x128xf32, #tpu.memory_space<hbm>>
      %dma_wait3A_751 = tpu.memref_squeeze %dma_wait3A_750 : memref<1x32x128xf32, #tpu.memory_space<hbm>> -> memref<32x128xf32, #tpu.memory_space<hbm>>
      %dma_wait3A_752 = arith.constant 0 : i32
      %dma_wait3A_753 = arith.constant 0 : i32
      %dma_wait3A_754 = tpu.memref_slice %arg6[%dma_wait3A_752, %dma_wait3A_753] : memref<40x128xf32, #tpu.memory_space<vmem>> -> memref<32x128xf32, #tpu.memory_space<vmem>>
      tpu.wait_dma2 semaphore(%arg8 : memref<!tpu.dma_semaphore, #tpu.memory_space<semaphore_mem>>) src(%dma_wait3A_754 : memref<32x128xf32, #tpu.memory_space<vmem>>) dst(%dma_wait3A_751 : memref<32x128xf32, #tpu.memory_space<hbm>>)
      %dma_wait3A_755 = arith.constant 25 : i32
      %dma_wait3A_756 = arith.constant 0 : i32
      %dma_wait3A_757 = arith.constant 0 : i32
      %dma_wait3A_758 = tpu.memref_slice %arg6[%dma_wait3A_756, %dma_wait3A_757] : memref<40x128xf32, #tpu.memory_space<vmem>> -> memref<32x128xf32, #tpu.memory_space<vmem>>
      %dma_wait3A_759 = arith.constant 0 : i32
      %dma_wait3A_760 = tpu.memref_slice %arg4[%dma_wait3A_755, %multiple_of3A, %dma_wait3A_759] : memref<32x898x128xf32, #tpu.memory_space<hbm>> -> memref<1x32x128xf32, #tpu.memory_space<hbm>>
      %dma_wait3A_761 = tpu.memref_squeeze %dma_wait3A_760 : memref<1x32x128xf32, #tpu.memory_space<hbm>> -> memref<32x128xf32, #tpu.memory_space<hbm>>
      %dma_wait3A_762 = arith.constant 0 : i32
      %dma_wait3A_763 = tpu.memref_slice %arg4[%dma_wait3A_755, %multiple_of3A, %dma_wait3A_762] : memref<32x898x128xf32, #tpu.memory_space<hbm>> -> memref<1x32x128xf32, #tpu.memory_space<hbm>>
      %dma_wait3A_764 = tpu.memref_squeeze %dma_wait3A_763 : memref<1x32x128xf32, #tpu.memory_space<hbm>> -> memref<32x128xf32, #tpu.memory_space<hbm>>
      %dma_wait3A_765 = arith.constant 0 : i32
      %dma_wait3A_766 = arith.constant 0 : i32
      %dma_wait3A_767 = tpu.memref_slice %arg6[%dma_wait3A_765, %dma_wait3A_766] : memref<40x128xf32, #tpu.memory_space<vmem>> -> memref<32x128xf32, #tpu.memory_space<vmem>>
      tpu.wait_dma2 semaphore(%arg8 : memref<!tpu.dma_semaphore, #tpu.memory_space<semaphore_mem>>) src(%dma_wait3A_767 : memref<32x128xf32, #tpu.memory_space<vmem>>) dst(%dma_wait3A_764 : memref<32x128xf32, #tpu.memory_space<hbm>>)
      %dma_wait3A_768 = arith.constant 26 : i32
      %dma_wait3A_769 = arith.constant 0 : i32
      %dma_wait3A_770 = arith.constant 0 : i32
      %dma_wait3A_771 = tpu.memref_slice %arg6[%dma_wait3A_769, %dma_wait3A_770] : memref<40x128xf32, #tpu.memory_space<vmem>> -> memref<32x128xf32, #tpu.memory_space<vmem>>
      %dma_wait3A_772 = arith.constant 0 : i32
      %dma_wait3A_773 = tpu.memref_slice %arg4[%dma_wait3A_768, %multiple_of3A, %dma_wait3A_772] : memref<32x898x128xf32, #tpu.memory_space<hbm>> -> memref<1x32x128xf32, #tpu.memory_space<hbm>>
      %dma_wait3A_774 = tpu.memref_squeeze %dma_wait3A_773 : memref<1x32x128xf32, #tpu.memory_space<hbm>> -> memref<32x128xf32, #tpu.memory_space<hbm>>
      %dma_wait3A_775 = arith.constant 0 : i32
      %dma_wait3A_776 = tpu.memref_slice %arg4[%dma_wait3A_768, %multiple_of3A, %dma_wait3A_775] : memref<32x898x128xf32, #tpu.memory_space<hbm>> -> memref<1x32x128xf32, #tpu.memory_space<hbm>>
      %dma_wait3A_777 = tpu.memref_squeeze %dma_wait3A_776 : memref<1x32x128xf32, #tpu.memory_space<hbm>> -> memref<32x128xf32, #tpu.memory_space<hbm>>
      %dma_wait3A_778 = arith.constant 0 : i32
      %dma_wait3A_779 = arith.constant 0 : i32
      %dma_wait3A_780 = tpu.memref_slice %arg6[%dma_wait3A_778, %dma_wait3A_779] : memref<40x128xf32, #tpu.memory_space<vmem>> -> memref<32x128xf32, #tpu.memory_space<vmem>>
      tpu.wait_dma2 semaphore(%arg8 : memref<!tpu.dma_semaphore, #tpu.memory_space<semaphore_mem>>) src(%dma_wait3A_780 : memref<32x128xf32, #tpu.memory_space<vmem>>) dst(%dma_wait3A_777 : memref<32x128xf32, #tpu.memory_space<hbm>>)
      %dma_wait3A_781 = arith.constant 27 : i32
      %dma_wait3A_782 = arith.constant 0 : i32
      %dma_wait3A_783 = arith.constant 0 : i32
      %dma_wait3A_784 = tpu.memref_slice %arg6[%dma_wait3A_782, %dma_wait3A_783] : memref<40x128xf32, #tpu.memory_space<vmem>> -> memref<32x128xf32, #tpu.memory_space<vmem>>
      %dma_wait3A_785 = arith.constant 0 : i32
      %dma_wait3A_786 = tpu.memref_slice %arg4[%dma_wait3A_781, %multiple_of3A, %dma_wait3A_785] : memref<32x898x128xf32, #tpu.memory_space<hbm>> -> memref<1x32x128xf32, #tpu.memory_space<hbm>>
      %dma_wait3A_787 = tpu.memref_squeeze %dma_wait3A_786 : memref<1x32x128xf32, #tpu.memory_space<hbm>> -> memref<32x128xf32, #tpu.memory_space<hbm>>
      %dma_wait3A_788 = arith.constant 0 : i32
      %dma_wait3A_789 = tpu.memref_slice %arg4[%dma_wait3A_781, %multiple_of3A, %dma_wait3A_788] : memref<32x898x128xf32, #tpu.memory_space<hbm>> -> memref<1x32x128xf32, #tpu.memory_space<hbm>>
      %dma_wait3A_790 = tpu.memref_squeeze %dma_wait3A_789 : memref<1x32x128xf32, #tpu.memory_space<hbm>> -> memref<32x128xf32, #tpu.memory_space<hbm>>
      %dma_wait3A_791 = arith.constant 0 : i32
      %dma_wait3A_792 = arith.constant 0 : i32
      %dma_wait3A_793 = tpu.memref_slice %arg6[%dma_wait3A_791, %dma_wait3A_792] : memref<40x128xf32, #tpu.memory_space<vmem>> -> memref<32x128xf32, #tpu.memory_space<vmem>>
      tpu.wait_dma2 semaphore(%arg8 : memref<!tpu.dma_semaphore, #tpu.memory_space<semaphore_mem>>) src(%dma_wait3A_793 : memref<32x128xf32, #tpu.memory_space<vmem>>) dst(%dma_wait3A_790 : memref<32x128xf32, #tpu.memory_space<hbm>>)
      %dma_wait3A_794 = arith.constant 28 : i32
      %dma_wait3A_795 = arith.constant 0 : i32
      %dma_wait3A_796 = arith.constant 0 : i32
      %dma_wait3A_797 = tpu.memref_slice %arg6[%dma_wait3A_795, %dma_wait3A_796] : memref<40x128xf32, #tpu.memory_space<vmem>> -> memref<32x128xf32, #tpu.memory_space<vmem>>
      %dma_wait3A_798 = arith.constant 0 : i32
      %dma_wait3A_799 = tpu.memref_slice %arg4[%dma_wait3A_794, %multiple_of3A, %dma_wait3A_798] : memref<32x898x128xf32, #tpu.memory_space<hbm>> -> memref<1x32x128xf32, #tpu.memory_space<hbm>>
      %dma_wait3A_800 = tpu.memref_squeeze %dma_wait3A_799 : memref<1x32x128xf32, #tpu.memory_space<hbm>> -> memref<32x128xf32, #tpu.memory_space<hbm>>
      %dma_wait3A_801 = arith.constant 0 : i32
      %dma_wait3A_802 = tpu.memref_slice %arg4[%dma_wait3A_794, %multiple_of3A, %dma_wait3A_801] : memref<32x898x128xf32, #tpu.memory_space<hbm>> -> memref<1x32x128xf32, #tpu.memory_space<hbm>>
      %dma_wait3A_803 = tpu.memref_squeeze %dma_wait3A_802 : memref<1x32x128xf32, #tpu.memory_space<hbm>> -> memref<32x128xf32, #tpu.memory_space<hbm>>
      %dma_wait3A_804 = arith.constant 0 : i32
      %dma_wait3A_805 = arith.constant 0 : i32
      %dma_wait3A_806 = tpu.memref_slice %arg6[%dma_wait3A_804, %dma_wait3A_805] : memref<40x128xf32, #tpu.memory_space<vmem>> -> memref<32x128xf32, #tpu.memory_space<vmem>>
      tpu.wait_dma2 semaphore(%arg8 : memref<!tpu.dma_semaphore, #tpu.memory_space<semaphore_mem>>) src(%dma_wait3A_806 : memref<32x128xf32, #tpu.memory_space<vmem>>) dst(%dma_wait3A_803 : memref<32x128xf32, #tpu.memory_space<hbm>>)
      %dma_wait3A_807 = arith.constant 29 : i32
      %dma_wait3A_808 = arith.constant 0 : i32
      %dma_wait3A_809 = arith.constant 0 : i32
      %dma_wait3A_810 = tpu.memref_slice %arg6[%dma_wait3A_808, %dma_wait3A_809] : memref<40x128xf32, #tpu.memory_space<vmem>> -> memref<32x128xf32, #tpu.memory_space<vmem>>
      %dma_wait3A_811 = arith.constant 0 : i32
      %dma_wait3A_812 = tpu.memref_slice %arg4[%dma_wait3A_807, %multiple_of3A, %dma_wait3A_811] : memref<32x898x128xf32, #tpu.memory_space<hbm>> -> memref<1x32x128xf32, #tpu.memory_space<hbm>>
      %dma_wait3A_813 = tpu.memref_squeeze %dma_wait3A_812 : memref<1x32x128xf32, #tpu.memory_space<hbm>> -> memref<32x128xf32, #tpu.memory_space<hbm>>
      %dma_wait3A_814 = arith.constant 0 : i32
      %dma_wait3A_815 = tpu.memref_slice %arg4[%dma_wait3A_807, %multiple_of3A, %dma_wait3A_814] : memref<32x898x128xf32, #tpu.memory_space<hbm>> -> memref<1x32x128xf32, #tpu.memory_space<hbm>>
      %dma_wait3A_816 = tpu.memref_squeeze %dma_wait3A_815 : memref<1x32x128xf32, #tpu.memory_space<hbm>> -> memref<32x128xf32, #tpu.memory_space<hbm>>
      %dma_wait3A_817 = arith.constant 0 : i32
      %dma_wait3A_818 = arith.constant 0 : i32
      %dma_wait3A_819 = tpu.memref_slice %arg6[%dma_wait3A_817, %dma_wait3A_818] : memref<40x128xf32, #tpu.memory_space<vmem>> -> memref<32x128xf32, #tpu.memory_space<vmem>>
      tpu.wait_dma2 semaphore(%arg8 : memref<!tpu.dma_semaphore, #tpu.memory_space<semaphore_mem>>) src(%dma_wait3A_819 : memref<32x128xf32, #tpu.memory_space<vmem>>) dst(%dma_wait3A_816 : memref<32x128xf32, #tpu.memory_space<hbm>>)
      %dma_wait3A_820 = arith.constant 30 : i32
      %dma_wait3A_821 = arith.constant 0 : i32
      %dma_wait3A_822 = arith.constant 0 : i32
      %dma_wait3A_823 = tpu.memref_slice %arg6[%dma_wait3A_821, %dma_wait3A_822] : memref<40x128xf32, #tpu.memory_space<vmem>> -> memref<32x128xf32, #tpu.memory_space<vmem>>
      %dma_wait3A_824 = arith.constant 0 : i32
      %dma_wait3A_825 = tpu.memref_slice %arg4[%dma_wait3A_820, %multiple_of3A, %dma_wait3A_824] : memref<32x898x128xf32, #tpu.memory_space<hbm>> -> memref<1x32x128xf32, #tpu.memory_space<hbm>>
      %dma_wait3A_826 = tpu.memref_squeeze %dma_wait3A_825 : memref<1x32x128xf32, #tpu.memory_space<hbm>> -> memref<32x128xf32, #tpu.memory_space<hbm>>
      %dma_wait3A_827 = arith.constant 0 : i32
      %dma_wait3A_828 = tpu.memref_slice %arg4[%dma_wait3A_820, %multiple_of3A, %dma_wait3A_827] : memref<32x898x128xf32, #tpu.memory_space<hbm>> -> memref<1x32x128xf32, #tpu.memory_space<hbm>>
      %dma_wait3A_829 = tpu.memref_squeeze %dma_wait3A_828 : memref<1x32x128xf32, #tpu.memory_space<hbm>> -> memref<32x128xf32, #tpu.memory_space<hbm>>
      %dma_wait3A_830 = arith.constant 0 : i32
      %dma_wait3A_831 = arith.constant 0 : i32
      %dma_wait3A_832 = tpu.memref_slice %arg6[%dma_wait3A_830, %dma_wait3A_831] : memref<40x128xf32, #tpu.memory_space<vmem>> -> memref<32x128xf32, #tpu.memory_space<vmem>>
      tpu.wait_dma2 semaphore(%arg8 : memref<!tpu.dma_semaphore, #tpu.memory_space<semaphore_mem>>) src(%dma_wait3A_832 : memref<32x128xf32, #tpu.memory_space<vmem>>) dst(%dma_wait3A_829 : memref<32x128xf32, #tpu.memory_space<hbm>>)
      %dma_wait3A_833 = arith.constant 31 : i32
      %dma_wait3A_834 = arith.constant 0 : i32
      %dma_wait3A_835 = arith.constant 0 : i32
      %dma_wait3A_836 = tpu.memref_slice %arg6[%dma_wait3A_834, %dma_wait3A_835] : memref<40x128xf32, #tpu.memory_space<vmem>> -> memref<32x128xf32, #tpu.memory_space<vmem>>
      %dma_wait3A_837 = arith.constant 0 : i32
      %dma_wait3A_838 = tpu.memref_slice %arg4[%dma_wait3A_833, %multiple_of3A, %dma_wait3A_837] : memref<32x898x128xf32, #tpu.memory_space<hbm>> -> memref<1x32x128xf32, #tpu.memory_space<hbm>>
      %dma_wait3A_839 = tpu.memref_squeeze %dma_wait3A_838 : memref<1x32x128xf32, #tpu.memory_space<hbm>> -> memref<32x128xf32, #tpu.memory_space<hbm>>
      %dma_wait3A_840 = arith.constant 0 : i32
      %dma_wait3A_841 = tpu.memref_slice %arg4[%dma_wait3A_833, %multiple_of3A, %dma_wait3A_840] : memref<32x898x128xf32, #tpu.memory_space<hbm>> -> memref<1x32x128xf32, #tpu.memory_space<hbm>>
      %dma_wait3A_842 = tpu.memref_squeeze %dma_wait3A_841 : memref<1x32x128xf32, #tpu.memory_space<hbm>> -> memref<32x128xf32, #tpu.memory_space<hbm>>
      %dma_wait3A_843 = arith.constant 0 : i32
      %dma_wait3A_844 = arith.constant 0 : i32
      %dma_wait3A_845 = tpu.memref_slice %arg6[%dma_wait3A_843, %dma_wait3A_844] : memref<40x128xf32, #tpu.memory_space<vmem>> -> memref<32x128xf32, #tpu.memory_space<vmem>>
      tpu.wait_dma2 semaphore(%arg8 : memref<!tpu.dma_semaphore, #tpu.memory_space<semaphore_mem>>) src(%dma_wait3A_845 : memref<32x128xf32, #tpu.memory_space<vmem>>) dst(%dma_wait3A_842 : memref<32x128xf32, #tpu.memory_space<hbm>>)
    } else {
    }
    %ge3A = arith.constant 28 : i32
    %ge3A_10 = arith.cmpi sge, %add3A, %ge3A : i32
    %convert_element_type3A_11 = arith.extui %ge3A_10 : i1 to i32
    %cond3A_12 = arith.constant 0 : i32
    %cond3A_13 = arith.cmpi ne, %convert_element_type3A_11, %cond3A_12 : i32
    scf.if %cond3A_13 {
      %sub3A = arith.constant 28 : i32
      %sub3A_14 = arith.subi %add3A, %sub3A : i32
      %mul3A_15 = arith.constant 8 : i32
      %mul3A_16 = arith.muli %sub3A_14, %mul3A_15 : i32
      %add3A_17 = arith.constant 0 : i32
      %add3A_18 = arith.addi %mul3A_16, %add3A_17 : i32
      %min3A_19 = arith.constant 31 : i32
      %min3A_20 = arith.minsi %add3A_18, %min3A_19 : i32
      %dma_start3A_21 = arith.constant 32 : i32
      %dma_start3A_22 = arith.constant 0 : i32
      %dma_start3A_23 = tpu.memref_slice %arg6[%dma_start3A_21, %dma_start3A_22] : memref<40x128xf32, #tpu.memory_space<vmem>> -> memref<2x128xf32, #tpu.memory_space<vmem>>
      %dma_start3A_24 = arith.constant 896 : i32
      %dma_start3A_25 = arith.constant 0 : i32
      %dma_start3A_26 = tpu.memref_slice %arg4[%min3A_20, %dma_start3A_24, %dma_start3A_25] : memref<32x898x128xf32, #tpu.memory_space<hbm>> -> memref<1x2x128xf32, #tpu.memory_space<hbm>>
      %dma_start3A_27 = tpu.memref_squeeze %dma_start3A_26 : memref<1x2x128xf32, #tpu.memory_space<hbm>> -> memref<2x128xf32, #tpu.memory_space<hbm>>
      %dma_start3A_28 = arith.constant 896 : i32
      %dma_start3A_29 = arith.constant 0 : i32
      %dma_start3A_30 = tpu.memref_slice %arg4[%min3A_20, %dma_start3A_28, %dma_start3A_29] : memref<32x898x128xf32, #tpu.memory_space<hbm>> -> memref<1x2x128xf32, #tpu.memory_space<hbm>>
      %dma_start3A_31 = tpu.memref_squeeze %dma_start3A_30 : memref<1x2x128xf32, #tpu.memory_space<hbm>> -> memref<2x128xf32, #tpu.memory_space<hbm>>
      %dma_start3A_32 = arith.constant 32 : i32
      %dma_start3A_33 = arith.constant 0 : i32
      %dma_start3A_34 = tpu.memref_slice %arg6[%dma_start3A_32, %dma_start3A_33] : memref<40x128xf32, #tpu.memory_space<vmem>> -> memref<2x128xf32, #tpu.memory_space<vmem>>
      tpu.enqueue_dma source(%dma_start3A_34 : memref<2x128xf32, #tpu.memory_space<vmem>>) target(%dma_start3A_31 : memref<2x128xf32, #tpu.memory_space<hbm>>) target_semaphore(%arg8 : memref<!tpu.dma_semaphore, #tpu.memory_space<semaphore_mem>>)
      %add3A_35 = arith.constant 1 : i32
      %add3A_36 = arith.addi %mul3A_16, %add3A_35 : i32
      %min3A_37 = arith.constant 31 : i32
      %min3A_38 = arith.minsi %add3A_36, %min3A_37 : i32
      %dma_start3A_39 = arith.constant 32 : i32
      %dma_start3A_40 = arith.constant 0 : i32
      %dma_start3A_41 = tpu.memref_slice %arg6[%dma_start3A_39, %dma_start3A_40] : memref<40x128xf32, #tpu.memory_space<vmem>> -> memref<2x128xf32, #tpu.memory_space<vmem>>
      %dma_start3A_42 = arith.constant 896 : i32
      %dma_start3A_43 = arith.constant 0 : i32
      %dma_start3A_44 = tpu.memref_slice %arg4[%min3A_38, %dma_start3A_42, %dma_start3A_43] : memref<32x898x128xf32, #tpu.memory_space<hbm>> -> memref<1x2x128xf32, #tpu.memory_space<hbm>>
      %dma_start3A_45 = tpu.memref_squeeze %dma_start3A_44 : memref<1x2x128xf32, #tpu.memory_space<hbm>> -> memref<2x128xf32, #tpu.memory_space<hbm>>
      %dma_start3A_46 = arith.constant 896 : i32
      %dma_start3A_47 = arith.constant 0 : i32
      %dma_start3A_48 = tpu.memref_slice %arg4[%min3A_38, %dma_start3A_46, %dma_start3A_47] : memref<32x898x128xf32, #tpu.memory_space<hbm>> -> memref<1x2x128xf32, #tpu.memory_space<hbm>>
      %dma_start3A_49 = tpu.memref_squeeze %dma_start3A_48 : memref<1x2x128xf32, #tpu.memory_space<hbm>> -> memref<2x128xf32, #tpu.memory_space<hbm>>
      %dma_start3A_50 = arith.constant 32 : i32
      %dma_start3A_51 = arith.constant 0 : i32
      %dma_start3A_52 = tpu.memref_slice %arg6[%dma_start3A_50, %dma_start3A_51] : memref<40x128xf32, #tpu.memory_space<vmem>> -> memref<2x128xf32, #tpu.memory_space<vmem>>
      tpu.enqueue_dma source(%dma_start3A_52 : memref<2x128xf32, #tpu.memory_space<vmem>>) target(%dma_start3A_49 : memref<2x128xf32, #tpu.memory_space<hbm>>) target_semaphore(%arg8 : memref<!tpu.dma_semaphore, #tpu.memory_space<semaphore_mem>>)
      %add3A_53 = arith.constant 2 : i32
      %add3A_54 = arith.addi %mul3A_16, %add3A_53 : i32
      %min3A_55 = arith.constant 31 : i32
      %min3A_56 = arith.minsi %add3A_54, %min3A_55 : i32
      %dma_start3A_57 = arith.constant 32 : i32
      %dma_start3A_58 = arith.constant 0 : i32
      %dma_start3A_59 = tpu.memref_slice %arg6[%dma_start3A_57, %dma_start3A_58] : memref<40x128xf32, #tpu.memory_space<vmem>> -> memref<2x128xf32, #tpu.memory_space<vmem>>
      %dma_start3A_60 = arith.constant 896 : i32
      %dma_start3A_61 = arith.constant 0 : i32
      %dma_start3A_62 = tpu.memref_slice %arg4[%min3A_56, %dma_start3A_60, %dma_start3A_61] : memref<32x898x128xf32, #tpu.memory_space<hbm>> -> memref<1x2x128xf32, #tpu.memory_space<hbm>>
      %dma_start3A_63 = tpu.memref_squeeze %dma_start3A_62 : memref<1x2x128xf32, #tpu.memory_space<hbm>> -> memref<2x128xf32, #tpu.memory_space<hbm>>
      %dma_start3A_64 = arith.constant 896 : i32
      %dma_start3A_65 = arith.constant 0 : i32
      %dma_start3A_66 = tpu.memref_slice %arg4[%min3A_56, %dma_start3A_64, %dma_start3A_65] : memref<32x898x128xf32, #tpu.memory_space<hbm>> -> memref<1x2x128xf32, #tpu.memory_space<hbm>>
      %dma_start3A_67 = tpu.memref_squeeze %dma_start3A_66 : memref<1x2x128xf32, #tpu.memory_space<hbm>> -> memref<2x128xf32, #tpu.memory_space<hbm>>
      %dma_start3A_68 = arith.constant 32 : i32
      %dma_start3A_69 = arith.constant 0 : i32
      %dma_start3A_70 = tpu.memref_slice %arg6[%dma_start3A_68, %dma_start3A_69] : memref<40x128xf32, #tpu.memory_space<vmem>> -> memref<2x128xf32, #tpu.memory_space<vmem>>
      tpu.enqueue_dma source(%dma_start3A_70 : memref<2x128xf32, #tpu.memory_space<vmem>>) target(%dma_start3A_67 : memref<2x128xf32, #tpu.memory_space<hbm>>) target_semaphore(%arg8 : memref<!tpu.dma_semaphore, #tpu.memory_space<semaphore_mem>>)
      %add3A_71 = arith.constant 3 : i32
      %add3A_72 = arith.addi %mul3A_16, %add3A_71 : i32
      %min3A_73 = arith.constant 31 : i32
      %min3A_74 = arith.minsi %add3A_72, %min3A_73 : i32
      %dma_start3A_75 = arith.constant 32 : i32
      %dma_start3A_76 = arith.constant 0 : i32
      %dma_start3A_77 = tpu.memref_slice %arg6[%dma_start3A_75, %dma_start3A_76] : memref<40x128xf32, #tpu.memory_space<vmem>> -> memref<2x128xf32, #tpu.memory_space<vmem>>
      %dma_start3A_78 = arith.constant 896 : i32
      %dma_start3A_79 = arith.constant 0 : i32
      %dma_start3A_80 = tpu.memref_slice %arg4[%min3A_74, %dma_start3A_78, %dma_start3A_79] : memref<32x898x128xf32, #tpu.memory_space<hbm>> -> memref<1x2x128xf32, #tpu.memory_space<hbm>>
      %dma_start3A_81 = tpu.memref_squeeze %dma_start3A_80 : memref<1x2x128xf32, #tpu.memory_space<hbm>> -> memref<2x128xf32, #tpu.memory_space<hbm>>
      %dma_start3A_82 = arith.constant 896 : i32
      %dma_start3A_83 = arith.constant 0 : i32
      %dma_start3A_84 = tpu.memref_slice %arg4[%min3A_74, %dma_start3A_82, %dma_start3A_83] : memref<32x898x128xf32, #tpu.memory_space<hbm>> -> memref<1x2x128xf32, #tpu.memory_space<hbm>>
      %dma_start3A_85 = tpu.memref_squeeze %dma_start3A_84 : memref<1x2x128xf32, #tpu.memory_space<hbm>> -> memref<2x128xf32, #tpu.memory_space<hbm>>
      %dma_start3A_86 = arith.constant 32 : i32
      %dma_start3A_87 = arith.constant 0 : i32
      %dma_start3A_88 = tpu.memref_slice %arg6[%dma_start3A_86, %dma_start3A_87] : memref<40x128xf32, #tpu.memory_space<vmem>> -> memref<2x128xf32, #tpu.memory_space<vmem>>
      tpu.enqueue_dma source(%dma_start3A_88 : memref<2x128xf32, #tpu.memory_space<vmem>>) target(%dma_start3A_85 : memref<2x128xf32, #tpu.memory_space<hbm>>) target_semaphore(%arg8 : memref<!tpu.dma_semaphore, #tpu.memory_space<semaphore_mem>>)
      %add3A_89 = arith.constant 4 : i32
      %add3A_90 = arith.addi %mul3A_16, %add3A_89 : i32
      %min3A_91 = arith.constant 31 : i32
      %min3A_92 = arith.minsi %add3A_90, %min3A_91 : i32
      %dma_start3A_93 = arith.constant 32 : i32
      %dma_start3A_94 = arith.constant 0 : i32
      %dma_start3A_95 = tpu.memref_slice %arg6[%dma_start3A_93, %dma_start3A_94] : memref<40x128xf32, #tpu.memory_space<vmem>> -> memref<2x128xf32, #tpu.memory_space<vmem>>
      %dma_start3A_96 = arith.constant 896 : i32
      %dma_start3A_97 = arith.constant 0 : i32
      %dma_start3A_98 = tpu.memref_slice %arg4[%min3A_92, %dma_start3A_96, %dma_start3A_97] : memref<32x898x128xf32, #tpu.memory_space<hbm>> -> memref<1x2x128xf32, #tpu.memory_space<hbm>>
      %dma_start3A_99 = tpu.memref_squeeze %dma_start3A_98 : memref<1x2x128xf32, #tpu.memory_space<hbm>> -> memref<2x128xf32, #tpu.memory_space<hbm>>
      %dma_start3A_100 = arith.constant 896 : i32
      %dma_start3A_101 = arith.constant 0 : i32
      %dma_start3A_102 = tpu.memref_slice %arg4[%min3A_92, %dma_start3A_100, %dma_start3A_101] : memref<32x898x128xf32, #tpu.memory_space<hbm>> -> memref<1x2x128xf32, #tpu.memory_space<hbm>>
      %dma_start3A_103 = tpu.memref_squeeze %dma_start3A_102 : memref<1x2x128xf32, #tpu.memory_space<hbm>> -> memref<2x128xf32, #tpu.memory_space<hbm>>
      %dma_start3A_104 = arith.constant 32 : i32
      %dma_start3A_105 = arith.constant 0 : i32
      %dma_start3A_106 = tpu.memref_slice %arg6[%dma_start3A_104, %dma_start3A_105] : memref<40x128xf32, #tpu.memory_space<vmem>> -> memref<2x128xf32, #tpu.memory_space<vmem>>
      tpu.enqueue_dma source(%dma_start3A_106 : memref<2x128xf32, #tpu.memory_space<vmem>>) target(%dma_start3A_103 : memref<2x128xf32, #tpu.memory_space<hbm>>) target_semaphore(%arg8 : memref<!tpu.dma_semaphore, #tpu.memory_space<semaphore_mem>>)
      %add3A_107 = arith.constant 5 : i32
      %add3A_108 = arith.addi %mul3A_16, %add3A_107 : i32
      %min3A_109 = arith.constant 31 : i32
      %min3A_110 = arith.minsi %add3A_108, %min3A_109 : i32
      %dma_start3A_111 = arith.constant 32 : i32
      %dma_start3A_112 = arith.constant 0 : i32
      %dma_start3A_113 = tpu.memref_slice %arg6[%dma_start3A_111, %dma_start3A_112] : memref<40x128xf32, #tpu.memory_space<vmem>> -> memref<2x128xf32, #tpu.memory_space<vmem>>
      %dma_start3A_114 = arith.constant 896 : i32
      %dma_start3A_115 = arith.constant 0 : i32
      %dma_start3A_116 = tpu.memref_slice %arg4[%min3A_110, %dma_start3A_114, %dma_start3A_115] : memref<32x898x128xf32, #tpu.memory_space<hbm>> -> memref<1x2x128xf32, #tpu.memory_space<hbm>>
      %dma_start3A_117 = tpu.memref_squeeze %dma_start3A_116 : memref<1x2x128xf32, #tpu.memory_space<hbm>> -> memref<2x128xf32, #tpu.memory_space<hbm>>
      %dma_start3A_118 = arith.constant 896 : i32
      %dma_start3A_119 = arith.constant 0 : i32
      %dma_start3A_120 = tpu.memref_slice %arg4[%min3A_110, %dma_start3A_118, %dma_start3A_119] : memref<32x898x128xf32, #tpu.memory_space<hbm>> -> memref<1x2x128xf32, #tpu.memory_space<hbm>>
      %dma_start3A_121 = tpu.memref_squeeze %dma_start3A_120 : memref<1x2x128xf32, #tpu.memory_space<hbm>> -> memref<2x128xf32, #tpu.memory_space<hbm>>
      %dma_start3A_122 = arith.constant 32 : i32
      %dma_start3A_123 = arith.constant 0 : i32
      %dma_start3A_124 = tpu.memref_slice %arg6[%dma_start3A_122, %dma_start3A_123] : memref<40x128xf32, #tpu.memory_space<vmem>> -> memref<2x128xf32, #tpu.memory_space<vmem>>
      tpu.enqueue_dma source(%dma_start3A_124 : memref<2x128xf32, #tpu.memory_space<vmem>>) target(%dma_start3A_121 : memref<2x128xf32, #tpu.memory_space<hbm>>) target_semaphore(%arg8 : memref<!tpu.dma_semaphore, #tpu.memory_space<semaphore_mem>>)
      %add3A_125 = arith.constant 6 : i32
      %add3A_126 = arith.addi %mul3A_16, %add3A_125 : i32
      %min3A_127 = arith.constant 31 : i32
      %min3A_128 = arith.minsi %add3A_126, %min3A_127 : i32
      %dma_start3A_129 = arith.constant 32 : i32
      %dma_start3A_130 = arith.constant 0 : i32
      %dma_start3A_131 = tpu.memref_slice %arg6[%dma_start3A_129, %dma_start3A_130] : memref<40x128xf32, #tpu.memory_space<vmem>> -> memref<2x128xf32, #tpu.memory_space<vmem>>
      %dma_start3A_132 = arith.constant 896 : i32
      %dma_start3A_133 = arith.constant 0 : i32
      %dma_start3A_134 = tpu.memref_slice %arg4[%min3A_128, %dma_start3A_132, %dma_start3A_133] : memref<32x898x128xf32, #tpu.memory_space<hbm>> -> memref<1x2x128xf32, #tpu.memory_space<hbm>>
      %dma_start3A_135 = tpu.memref_squeeze %dma_start3A_134 : memref<1x2x128xf32, #tpu.memory_space<hbm>> -> memref<2x128xf32, #tpu.memory_space<hbm>>
      %dma_start3A_136 = arith.constant 896 : i32
      %dma_start3A_137 = arith.constant 0 : i32
      %dma_start3A_138 = tpu.memref_slice %arg4[%min3A_128, %dma_start3A_136, %dma_start3A_137] : memref<32x898x128xf32, #tpu.memory_space<hbm>> -> memref<1x2x128xf32, #tpu.memory_space<hbm>>
      %dma_start3A_139 = tpu.memref_squeeze %dma_start3A_138 : memref<1x2x128xf32, #tpu.memory_space<hbm>> -> memref<2x128xf32, #tpu.memory_space<hbm>>
      %dma_start3A_140 = arith.constant 32 : i32
      %dma_start3A_141 = arith.constant 0 : i32
      %dma_start3A_142 = tpu.memref_slice %arg6[%dma_start3A_140, %dma_start3A_141] : memref<40x128xf32, #tpu.memory_space<vmem>> -> memref<2x128xf32, #tpu.memory_space<vmem>>
      tpu.enqueue_dma source(%dma_start3A_142 : memref<2x128xf32, #tpu.memory_space<vmem>>) target(%dma_start3A_139 : memref<2x128xf32, #tpu.memory_space<hbm>>) target_semaphore(%arg8 : memref<!tpu.dma_semaphore, #tpu.memory_space<semaphore_mem>>)
      %add3A_143 = arith.constant 7 : i32
      %add3A_144 = arith.addi %mul3A_16, %add3A_143 : i32
      %min3A_145 = arith.constant 31 : i32
      %min3A_146 = arith.minsi %add3A_144, %min3A_145 : i32
      %dma_start3A_147 = arith.constant 32 : i32
      %dma_start3A_148 = arith.constant 0 : i32
      %dma_start3A_149 = tpu.memref_slice %arg6[%dma_start3A_147, %dma_start3A_148] : memref<40x128xf32, #tpu.memory_space<vmem>> -> memref<2x128xf32, #tpu.memory_space<vmem>>
      %dma_start3A_150 = arith.constant 896 : i32
      %dma_start3A_151 = arith.constant 0 : i32
      %dma_start3A_152 = tpu.memref_slice %arg4[%min3A_146, %dma_start3A_150, %dma_start3A_151] : memref<32x898x128xf32, #tpu.memory_space<hbm>> -> memref<1x2x128xf32, #tpu.memory_space<hbm>>
      %dma_start3A_153 = tpu.memref_squeeze %dma_start3A_152 : memref<1x2x128xf32, #tpu.memory_space<hbm>> -> memref<2x128xf32, #tpu.memory_space<hbm>>
      %dma_start3A_154 = arith.constant 896 : i32
      %dma_start3A_155 = arith.constant 0 : i32
      %dma_start3A_156 = tpu.memref_slice %arg4[%min3A_146, %dma_start3A_154, %dma_start3A_155] : memref<32x898x128xf32, #tpu.memory_space<hbm>> -> memref<1x2x128xf32, #tpu.memory_space<hbm>>
      %dma_start3A_157 = tpu.memref_squeeze %dma_start3A_156 : memref<1x2x128xf32, #tpu.memory_space<hbm>> -> memref<2x128xf32, #tpu.memory_space<hbm>>
      %dma_start3A_158 = arith.constant 32 : i32
      %dma_start3A_159 = arith.constant 0 : i32
      %dma_start3A_160 = tpu.memref_slice %arg6[%dma_start3A_158, %dma_start3A_159] : memref<40x128xf32, #tpu.memory_space<vmem>> -> memref<2x128xf32, #tpu.memory_space<vmem>>
      tpu.enqueue_dma source(%dma_start3A_160 : memref<2x128xf32, #tpu.memory_space<vmem>>) target(%dma_start3A_157 : memref<2x128xf32, #tpu.memory_space<hbm>>) target_semaphore(%arg8 : memref<!tpu.dma_semaphore, #tpu.memory_space<semaphore_mem>>)
      %dma_wait3A_161 = arith.constant 32 : i32
      %dma_wait3A_162 = arith.constant 0 : i32
      %dma_wait3A_163 = tpu.memref_slice %arg6[%dma_wait3A_161, %dma_wait3A_162] : memref<40x128xf32, #tpu.memory_space<vmem>> -> memref<2x128xf32, #tpu.memory_space<vmem>>
      %dma_wait3A_164 = arith.constant 896 : i32
      %dma_wait3A_165 = arith.constant 0 : i32
      %dma_wait3A_166 = tpu.memref_slice %arg4[%min3A_20, %dma_wait3A_164, %dma_wait3A_165] : memref<32x898x128xf32, #tpu.memory_space<hbm>> -> memref<1x2x128xf32, #tpu.memory_space<hbm>>
      %dma_wait3A_167 = tpu.memref_squeeze %dma_wait3A_166 : memref<1x2x128xf32, #tpu.memory_space<hbm>> -> memref<2x128xf32, #tpu.memory_space<hbm>>
      %dma_wait3A_168 = arith.constant 896 : i32
      %dma_wait3A_169 = arith.constant 0 : i32
      %dma_wait3A_170 = tpu.memref_slice %arg4[%min3A_20, %dma_wait3A_168, %dma_wait3A_169] : memref<32x898x128xf32, #tpu.memory_space<hbm>> -> memref<1x2x128xf32, #tpu.memory_space<hbm>>
      %dma_wait3A_171 = tpu.memref_squeeze %dma_wait3A_170 : memref<1x2x128xf32, #tpu.memory_space<hbm>> -> memref<2x128xf32, #tpu.memory_space<hbm>>
      %dma_wait3A_172 = arith.constant 32 : i32
      %dma_wait3A_173 = arith.constant 0 : i32
      %dma_wait3A_174 = tpu.memref_slice %arg6[%dma_wait3A_172, %dma_wait3A_173] : memref<40x128xf32, #tpu.memory_space<vmem>> -> memref<2x128xf32, #tpu.memory_space<vmem>>
      tpu.wait_dma2 semaphore(%arg8 : memref<!tpu.dma_semaphore, #tpu.memory_space<semaphore_mem>>) src(%dma_wait3A_174 : memref<2x128xf32, #tpu.memory_space<vmem>>) dst(%dma_wait3A_171 : memref<2x128xf32, #tpu.memory_space<hbm>>)
      %dma_wait3A_175 = arith.constant 32 : i32
      %dma_wait3A_176 = arith.constant 0 : i32
      %dma_wait3A_177 = tpu.memref_slice %arg6[%dma_wait3A_175, %dma_wait3A_176] : memref<40x128xf32, #tpu.memory_space<vmem>> -> memref<2x128xf32, #tpu.memory_space<vmem>>
      %dma_wait3A_178 = arith.constant 896 : i32
      %dma_wait3A_179 = arith.constant 0 : i32
      %dma_wait3A_180 = tpu.memref_slice %arg4[%min3A_38, %dma_wait3A_178, %dma_wait3A_179] : memref<32x898x128xf32, #tpu.memory_space<hbm>> -> memref<1x2x128xf32, #tpu.memory_space<hbm>>
      %dma_wait3A_181 = tpu.memref_squeeze %dma_wait3A_180 : memref<1x2x128xf32, #tpu.memory_space<hbm>> -> memref<2x128xf32, #tpu.memory_space<hbm>>
      %dma_wait3A_182 = arith.constant 896 : i32
      %dma_wait3A_183 = arith.constant 0 : i32
      %dma_wait3A_184 = tpu.memref_slice %arg4[%min3A_38, %dma_wait3A_182, %dma_wait3A_183] : memref<32x898x128xf32, #tpu.memory_space<hbm>> -> memref<1x2x128xf32, #tpu.memory_space<hbm>>
      %dma_wait3A_185 = tpu.memref_squeeze %dma_wait3A_184 : memref<1x2x128xf32, #tpu.memory_space<hbm>> -> memref<2x128xf32, #tpu.memory_space<hbm>>
      %dma_wait3A_186 = arith.constant 32 : i32
      %dma_wait3A_187 = arith.constant 0 : i32
      %dma_wait3A_188 = tpu.memref_slice %arg6[%dma_wait3A_186, %dma_wait3A_187] : memref<40x128xf32, #tpu.memory_space<vmem>> -> memref<2x128xf32, #tpu.memory_space<vmem>>
      tpu.wait_dma2 semaphore(%arg8 : memref<!tpu.dma_semaphore, #tpu.memory_space<semaphore_mem>>) src(%dma_wait3A_188 : memref<2x128xf32, #tpu.memory_space<vmem>>) dst(%dma_wait3A_185 : memref<2x128xf32, #tpu.memory_space<hbm>>)
      %dma_wait3A_189 = arith.constant 32 : i32
      %dma_wait3A_190 = arith.constant 0 : i32
      %dma_wait3A_191 = tpu.memref_slice %arg6[%dma_wait3A_189, %dma_wait3A_190] : memref<40x128xf32, #tpu.memory_space<vmem>> -> memref<2x128xf32, #tpu.memory_space<vmem>>
      %dma_wait3A_192 = arith.constant 896 : i32
      %dma_wait3A_193 = arith.constant 0 : i32
      %dma_wait3A_194 = tpu.memref_slice %arg4[%min3A_56, %dma_wait3A_192, %dma_wait3A_193] : memref<32x898x128xf32, #tpu.memory_space<hbm>> -> memref<1x2x128xf32, #tpu.memory_space<hbm>>
      %dma_wait3A_195 = tpu.memref_squeeze %dma_wait3A_194 : memref<1x2x128xf32, #tpu.memory_space<hbm>> -> memref<2x128xf32, #tpu.memory_space<hbm>>
      %dma_wait3A_196 = arith.constant 896 : i32
      %dma_wait3A_197 = arith.constant 0 : i32
      %dma_wait3A_198 = tpu.memref_slice %arg4[%min3A_56, %dma_wait3A_196, %dma_wait3A_197] : memref<32x898x128xf32, #tpu.memory_space<hbm>> -> memref<1x2x128xf32, #tpu.memory_space<hbm>>
      %dma_wait3A_199 = tpu.memref_squeeze %dma_wait3A_198 : memref<1x2x128xf32, #tpu.memory_space<hbm>> -> memref<2x128xf32, #tpu.memory_space<hbm>>
      %dma_wait3A_200 = arith.constant 32 : i32
      %dma_wait3A_201 = arith.constant 0 : i32
      %dma_wait3A_202 = tpu.memref_slice %arg6[%dma_wait3A_200, %dma_wait3A_201] : memref<40x128xf32, #tpu.memory_space<vmem>> -> memref<2x128xf32, #tpu.memory_space<vmem>>
      tpu.wait_dma2 semaphore(%arg8 : memref<!tpu.dma_semaphore, #tpu.memory_space<semaphore_mem>>) src(%dma_wait3A_202 : memref<2x128xf32, #tpu.memory_space<vmem>>) dst(%dma_wait3A_199 : memref<2x128xf32, #tpu.memory_space<hbm>>)
      %dma_wait3A_203 = arith.constant 32 : i32
      %dma_wait3A_204 = arith.constant 0 : i32
      %dma_wait3A_205 = tpu.memref_slice %arg6[%dma_wait3A_203, %dma_wait3A_204] : memref<40x128xf32, #tpu.memory_space<vmem>> -> memref<2x128xf32, #tpu.memory_space<vmem>>
      %dma_wait3A_206 = arith.constant 896 : i32
      %dma_wait3A_207 = arith.constant 0 : i32
      %dma_wait3A_208 = tpu.memref_slice %arg4[%min3A_74, %dma_wait3A_206, %dma_wait3A_207] : memref<32x898x128xf32, #tpu.memory_space<hbm>> -> memref<1x2x128xf32, #tpu.memory_space<hbm>>
      %dma_wait3A_209 = tpu.memref_squeeze %dma_wait3A_208 : memref<1x2x128xf32, #tpu.memory_space<hbm>> -> memref<2x128xf32, #tpu.memory_space<hbm>>
      %dma_wait3A_210 = arith.constant 896 : i32
      %dma_wait3A_211 = arith.constant 0 : i32
      %dma_wait3A_212 = tpu.memref_slice %arg4[%min3A_74, %dma_wait3A_210, %dma_wait3A_211] : memref<32x898x128xf32, #tpu.memory_space<hbm>> -> memref<1x2x128xf32, #tpu.memory_space<hbm>>
      %dma_wait3A_213 = tpu.memref_squeeze %dma_wait3A_212 : memref<1x2x128xf32, #tpu.memory_space<hbm>> -> memref<2x128xf32, #tpu.memory_space<hbm>>
      %dma_wait3A_214 = arith.constant 32 : i32
      %dma_wait3A_215 = arith.constant 0 : i32
      %dma_wait3A_216 = tpu.memref_slice %arg6[%dma_wait3A_214, %dma_wait3A_215] : memref<40x128xf32, #tpu.memory_space<vmem>> -> memref<2x128xf32, #tpu.memory_space<vmem>>
      tpu.wait_dma2 semaphore(%arg8 : memref<!tpu.dma_semaphore, #tpu.memory_space<semaphore_mem>>) src(%dma_wait3A_216 : memref<2x128xf32, #tpu.memory_space<vmem>>) dst(%dma_wait3A_213 : memref<2x128xf32, #tpu.memory_space<hbm>>)
      %dma_wait3A_217 = arith.constant 32 : i32
      %dma_wait3A_218 = arith.constant 0 : i32
      %dma_wait3A_219 = tpu.memref_slice %arg6[%dma_wait3A_217, %dma_wait3A_218] : memref<40x128xf32, #tpu.memory_space<vmem>> -> memref<2x128xf32, #tpu.memory_space<vmem>>
      %dma_wait3A_220 = arith.constant 896 : i32
      %dma_wait3A_221 = arith.constant 0 : i32
      %dma_wait3A_222 = tpu.memref_slice %arg4[%min3A_92, %dma_wait3A_220, %dma_wait3A_221] : memref<32x898x128xf32, #tpu.memory_space<hbm>> -> memref<1x2x128xf32, #tpu.memory_space<hbm>>
      %dma_wait3A_223 = tpu.memref_squeeze %dma_wait3A_222 : memref<1x2x128xf32, #tpu.memory_space<hbm>> -> memref<2x128xf32, #tpu.memory_space<hbm>>
      %dma_wait3A_224 = arith.constant 896 : i32
      %dma_wait3A_225 = arith.constant 0 : i32
      %dma_wait3A_226 = tpu.memref_slice %arg4[%min3A_92, %dma_wait3A_224, %dma_wait3A_225] : memref<32x898x128xf32, #tpu.memory_space<hbm>> -> memref<1x2x128xf32, #tpu.memory_space<hbm>>
      %dma_wait3A_227 = tpu.memref_squeeze %dma_wait3A_226 : memref<1x2x128xf32, #tpu.memory_space<hbm>> -> memref<2x128xf32, #tpu.memory_space<hbm>>
      %dma_wait3A_228 = arith.constant 32 : i32
      %dma_wait3A_229 = arith.constant 0 : i32
      %dma_wait3A_230 = tpu.memref_slice %arg6[%dma_wait3A_228, %dma_wait3A_229] : memref<40x128xf32, #tpu.memory_space<vmem>> -> memref<2x128xf32, #tpu.memory_space<vmem>>
      tpu.wait_dma2 semaphore(%arg8 : memref<!tpu.dma_semaphore, #tpu.memory_space<semaphore_mem>>) src(%dma_wait3A_230 : memref<2x128xf32, #tpu.memory_space<vmem>>) dst(%dma_wait3A_227 : memref<2x128xf32, #tpu.memory_space<hbm>>)
      %dma_wait3A_231 = arith.constant 32 : i32
      %dma_wait3A_232 = arith.constant 0 : i32
      %dma_wait3A_233 = tpu.memref_slice %arg6[%dma_wait3A_231, %dma_wait3A_232] : memref<40x128xf32, #tpu.memory_space<vmem>> -> memref<2x128xf32, #tpu.memory_space<vmem>>
      %dma_wait3A_234 = arith.constant 896 : i32
      %dma_wait3A_235 = arith.constant 0 : i32
      %dma_wait3A_236 = tpu.memref_slice %arg4[%min3A_110, %dma_wait3A_234, %dma_wait3A_235] : memref<32x898x128xf32, #tpu.memory_space<hbm>> -> memref<1x2x128xf32, #tpu.memory_space<hbm>>
      %dma_wait3A_237 = tpu.memref_squeeze %dma_wait3A_236 : memref<1x2x128xf32, #tpu.memory_space<hbm>> -> memref<2x128xf32, #tpu.memory_space<hbm>>
      %dma_wait3A_238 = arith.constant 896 : i32
      %dma_wait3A_239 = arith.constant 0 : i32
      %dma_wait3A_240 = tpu.memref_slice %arg4[%min3A_110, %dma_wait3A_238, %dma_wait3A_239] : memref<32x898x128xf32, #tpu.memory_space<hbm>> -> memref<1x2x128xf32, #tpu.memory_space<hbm>>
      %dma_wait3A_241 = tpu.memref_squeeze %dma_wait3A_240 : memref<1x2x128xf32, #tpu.memory_space<hbm>> -> memref<2x128xf32, #tpu.memory_space<hbm>>
      %dma_wait3A_242 = arith.constant 32 : i32
      %dma_wait3A_243 = arith.constant 0 : i32
      %dma_wait3A_244 = tpu.memref_slice %arg6[%dma_wait3A_242, %dma_wait3A_243] : memref<40x128xf32, #tpu.memory_space<vmem>> -> memref<2x128xf32, #tpu.memory_space<vmem>>
      tpu.wait_dma2 semaphore(%arg8 : memref<!tpu.dma_semaphore, #tpu.memory_space<semaphore_mem>>) src(%dma_wait3A_244 : memref<2x128xf32, #tpu.memory_space<vmem>>) dst(%dma_wait3A_241 : memref<2x128xf32, #tpu.memory_space<hbm>>)
      %dma_wait3A_245 = arith.constant 32 : i32
      %dma_wait3A_246 = arith.constant 0 : i32
      %dma_wait3A_247 = tpu.memref_slice %arg6[%dma_wait3A_245, %dma_wait3A_246] : memref<40x128xf32, #tpu.memory_space<vmem>> -> memref<2x128xf32, #tpu.memory_space<vmem>>
      %dma_wait3A_248 = arith.constant 896 : i32
      %dma_wait3A_249 = arith.constant 0 : i32
      %dma_wait3A_250 = tpu.memref_slice %arg4[%min3A_128, %dma_wait3A_248, %dma_wait3A_249] : memref<32x898x128xf32, #tpu.memory_space<hbm>> -> memref<1x2x128xf32, #tpu.memory_space<hbm>>
      %dma_wait3A_251 = tpu.memref_squeeze %dma_wait3A_250 : memref<1x2x128xf32, #tpu.memory_space<hbm>> -> memref<2x128xf32, #tpu.memory_space<hbm>>
      %dma_wait3A_252 = arith.constant 896 : i32
      %dma_wait3A_253 = arith.constant 0 : i32
      %dma_wait3A_254 = tpu.memref_slice %arg4[%min3A_128, %dma_wait3A_252, %dma_wait3A_253] : memref<32x898x128xf32, #tpu.memory_space<hbm>> -> memref<1x2x128xf32, #tpu.memory_space<hbm>>
      %dma_wait3A_255 = tpu.memref_squeeze %dma_wait3A_254 : memref<1x2x128xf32, #tpu.memory_space<hbm>> -> memref<2x128xf32, #tpu.memory_space<hbm>>
      %dma_wait3A_256 = arith.constant 32 : i32
      %dma_wait3A_257 = arith.constant 0 : i32
      %dma_wait3A_258 = tpu.memref_slice %arg6[%dma_wait3A_256, %dma_wait3A_257] : memref<40x128xf32, #tpu.memory_space<vmem>> -> memref<2x128xf32, #tpu.memory_space<vmem>>
      tpu.wait_dma2 semaphore(%arg8 : memref<!tpu.dma_semaphore, #tpu.memory_space<semaphore_mem>>) src(%dma_wait3A_258 : memref<2x128xf32, #tpu.memory_space<vmem>>) dst(%dma_wait3A_255 : memref<2x128xf32, #tpu.memory_space<hbm>>)
      %dma_wait3A_259 = arith.constant 32 : i32
      %dma_wait3A_260 = arith.constant 0 : i32
      %dma_wait3A_261 = tpu.memref_slice %arg6[%dma_wait3A_259, %dma_wait3A_260] : memref<40x128xf32, #tpu.memory_space<vmem>> -> memref<2x128xf32, #tpu.memory_space<vmem>>
      %dma_wait3A_262 = arith.constant 896 : i32
      %dma_wait3A_263 = arith.constant 0 : i32
      %dma_wait3A_264 = tpu.memref_slice %arg4[%min3A_146, %dma_wait3A_262, %dma_wait3A_263] : memref<32x898x128xf32, #tpu.memory_space<hbm>> -> memref<1x2x128xf32, #tpu.memory_space<hbm>>
      %dma_wait3A_265 = tpu.memref_squeeze %dma_wait3A_264 : memref<1x2x128xf32, #tpu.memory_space<hbm>> -> memref<2x128xf32, #tpu.memory_space<hbm>>
      %dma_wait3A_266 = arith.constant 896 : i32
      %dma_wait3A_267 = arith.constant 0 : i32
      %dma_wait3A_268 = tpu.memref_slice %arg4[%min3A_146, %dma_wait3A_266, %dma_wait3A_267] : memref<32x898x128xf32, #tpu.memory_space<hbm>> -> memref<1x2x128xf32, #tpu.memory_space<hbm>>
      %dma_wait3A_269 = tpu.memref_squeeze %dma_wait3A_268 : memref<1x2x128xf32, #tpu.memory_space<hbm>> -> memref<2x128xf32, #tpu.memory_space<hbm>>
      %dma_wait3A_270 = arith.constant 32 : i32
      %dma_wait3A_271 = arith.constant 0 : i32
      %dma_wait3A_272 = tpu.memref_slice %arg6[%dma_wait3A_270, %dma_wait3A_271] : memref<40x128xf32, #tpu.memory_space<vmem>> -> memref<2x128xf32, #tpu.memory_space<vmem>>
      tpu.wait_dma2 semaphore(%arg8 : memref<!tpu.dma_semaphore, #tpu.memory_space<semaphore_mem>>) src(%dma_wait3A_272 : memref<2x128xf32, #tpu.memory_space<vmem>>) dst(%dma_wait3A_269 : memref<2x128xf32, #tpu.memory_space<hbm>>)
    } else {
    }
    return
  }
}

</mosaic_0001>

<sc_bundles>
// kernel: kernel.3.cloned.1.call-start
scs
__scs_entry_jumppad:
0x0: {  	(pc) =	sbr.rel $0x88, $3  }
0x1: {  	(tag) =	ssettag $0x0;
	lr =	simm.s32 $0x1  }
0x2: {  	[smem:$0x3FA0] =	sst lr;
	_ =	strace $0xD0000000  }
0x3: {  	_ = 	snop  }
0x4: {  	_ = 	snop  }
0x5: {  	_ = 	snop  }
0x6: {  	_ = 	snop  }
0x7: {  	_ = 	snop  }
__scs_overlays_trampoline_lowered:
0x8: {  	[smem:$0x3FAF] =	sst s0  }
0x9: {  	[smem:$0x3FB0] =	sst s1  }
0xa: {  	[smem:$0x3FB1] =	sst s2  }
0xb: {  	[smem:$0x3FB2] =	sst s3  }
0xc: {  	[smem:$0x3FB3] =	sst s4  }
0xd: {  	[smem:$0x3FB4] =	sst s5  }
0xe: {  	[smem:$0x3FB5] =	sst s6  }
0xf: {  	[smem:$0x3FB6] =	sst s7  }
0x10: {  	[smem:$0x3FB7] =	sst s8  }
0x11: {  	[smem:$0x3FB8] =	sst s9;
	s0 =	simm.s32 @!p0 $0x0  }
0x12: {  	s1 =	sld [smem:$0x3F9E];
	s0 =	simm.s32 @p0 $0x1  }
0x13: {  	[smem:$0x3FB9] =	sst s0;
	s0 =	simm.s32 @!p1 $0x0  }
0x14: {  	s2 =	sld [smem:$0x3F9D];
	s0 =	simm.s32 @p1 $0x1  }
0x15: {  	[smem:$0x3FBA] =	sst s0;
	s0 =	simm.s32 @!p2 $0x0  }
0x16: {  	s3 =	sld [smem:$0x3FDB];
	s0 =	simm.s32 @p2 $0x1  }
0x17: {  	s4 =	simm.s32 $0x1BF5;
	[smem:$0x3FBC] =	sst s0  }
0x18: {  	s0 =	sld [smem:$0x3F9F];
	_ =	swait.ge [sflag:s4], $0x0  }
0x19: {  	s7 =	sld [smem:$0x3FA0]  }
0x1a: {  	s8 =	sadd.s32 $0xFFFFE003, lr  }
0x1b: {  	s9 =	sadd.s32 $0xFFFFFEF7, lr;
	s5 =	simm.s32 $0xFFFFFFFF;
	p2 =	slt.u32 s8, $0xFFFFF086  }
0x1c: {  	p1 =	slt.u32 s9, $0xF7A;
	s5 =	simm.s32 @!p2 $0x0  }
0x1d: {  	s5 =	simm.s32 @p1 $0x1;
	p0 =	seq.s32 s7, s2  }
0x1e: {  	s7 =	smul.u32 @!p0 $0xF7A, s2;
	p2 =	seq.s32 @!p0 s5, $0x0  }
0x1f: {  	s9 =	smul.u32 $0xF7A, s1;
	s8 =	simm.s32 @!p0 $0x1BF5;
	p2 =	por !p2, p0  }
0x20: {  	[sflag:s8] =	ssyncset.s32 @!p0 $0xFFFFF086;
	s6 =	sadd.s32 @!p0 s3, s7;
	s7 =	simm.s32 @!p0 $0x108  }
0x21: {  	s3 =	sadd.s32 s3, s9;
	s6 =	sadd.s32 @!p0 $0x88, s6;
	s7 =	simm.s32 @p2 $0x1082  }
0x22: {  	[simem:s7], [sflag:s8] =	dma.local @!p0 [hbm:s6], $0xF7A  }
0x23: {  	s9 =	sor.u32 $0xD0000000, s2;
	s6 =	simm.s32 $0x108;
	_ =	swait.ge @!p0 [sflag:s8], $0x0  }
0x24: {  	s3 =	sadd.s32 $0x88, s3;
	s6 =	simm.s32 @!p1 $0x1082;
	[sflag:s4] =	ssyncset.s32 $0xFFFFF086  }
0x25: {  	[simem:s6], [sflag:s4] =	dma.local [hbm:s3], $0xF7A  }
0x26: {  	[smem:$0x3FA0] =	sst s1;
	(tag) =	ssettag s2;
	_ =	strace s9  }
0x27: {  	s1 =	sld [smem:$0x3FB0]  }
0x28: {  	s2 =	sld [smem:$0x3FB1]  }
0x29: {  	s4 =	sld [smem:$0x3FB3]  }
0x2a: {  	p0 =	seq.s32 s5, $0x0;
	s5 =	sld [smem:$0x3FB4]  }
0x2b: {  	s6 =	sld [smem:$0x3FB5]  }
0x2c: {  	s7 =	sld [smem:$0x3FB6]  }
0x2d: {  	s3 =	simm.s32 $0x108;
	s8 =	sld [smem:$0x3FB7]  }
0x2e: {  	s3 =	simm.s32 @!p0 $0x1082;
	s9 =	sld [smem:$0x3FB8]  }
0x2f: {  	lr =	sadd.s32 s0, s3;
	s0 =	sld [smem:$0x3FAF]  }
0x30: {  	s3 =	sld [smem:$0x3FB2]  }
0x31: {  	[smem:$0x3FBB] =	sst s10  }
0x32: {  	s10 =	sld [smem:$0x3FB9];
	_ =	sdelay $0x3  }
0x33: {  	p0 =	seq.s32 s10, $0x1;
	s10 =	sld [smem:$0x3FBB];
	_ =	sdelay $0x3  }
0x34: {  	[smem:$0x3FBB] =	sst s10  }
0x35: {  	s10 =	sld [smem:$0x3FBA];
	_ =	sdelay $0x3  }
0x36: {  	p1 =	seq.s32 s10, $0x1;
	s10 =	sld [smem:$0x3FBB];
	_ =	sdelay $0x3  }
0x37: {  	[smem:$0x3FBB] =	sst s10  }
0x38: {  	s10 =	sld [smem:$0x3FBC]  }
0x39: {  	_ = 	snop;
	(pc) =	sbr.ind lr, $3  }
0x3a: {  	_ = 	snop  }
0x3b: {  	_ = 	snop  }
0x3c: {  	p2 =	seq.s32 s10, $0x1;
	s10 =	sld [smem:$0x3FBB]  }
0x3d: {  	_ =	shalt  }
0x3e: {  	_ =	shalt  }
0x3f: {  	_ =	shalt  }
0x40: {  	_ =	shalt  }
0x41: {  	_ =	shalt  }
0x42: {  	_ =	shalt  }
0x43: {  	_ =	shalt  }
0x44: {  	_ =	shalt  }
0x45: {  	_ =	shalt  }
0x46: {  	_ =	shalt  }
0x47: {  	_ =	shalt  }
0x48: {  	_ =	shalt  }
0x49: {  	_ =	shalt  }
0x4a: {  	_ =	shalt  }
0x4b: {  	_ =	shalt  }
0x4c: {  	_ =	shalt  }
0x4d: {  	_ =	shalt  }
0x4e: {  	_ =	shalt  }
0x4f: {  	_ =	shalt  }
0x50: {  	_ =	shalt  }
0x51: {  	_ =	shalt  }
0x52: {  	_ =	shalt  }
0x53: {  	_ =	shalt  }
0x54: {  	_ =	shalt  }
0x55: {  	_ =	shalt  }
0x56: {  	_ =	shalt  }
0x57: {  	_ =	shalt  }
0x58: {  	_ =	shalt  }
0x59: {  	_ =	shalt  }
0x5a: {  	_ =	shalt  }
0x5b: {  	_ =	shalt  }
0x5c: {  	_ =	shalt  }
0x5d: {  	_ =	shalt  }
0x5e: {  	_ =	shalt  }
0x5f: {  	_ =	shalt  }
0x60: {  	_ =	shalt  }
0x61: {  	_ =	shalt  }
0x62: {  	_ =	shalt  }
0x63: {  	_ =	shalt  }
0x64: {  	_ =	shalt  }
0x65: {  	_ =	shalt  }
0x66: {  	_ =	shalt  }
0x67: {  	_ =	shalt  }
0x68: {  	_ =	shalt  }
0x69: {  	_ =	shalt  }
0x6a: {  	_ =	shalt  }
0x6b: {  	_ =	shalt  }
0x6c: {  	_ =	shalt  }
0x6d: {  	_ =	shalt  }
0x6e: {  	_ =	shalt  }
0x6f: {  	_ =	shalt  }
0x70: {  	_ =	shalt  }
0x71: {  	_ =	shalt  }
0x72: {  	_ =	shalt  }
0x73: {  	_ =	shalt  }
0x74: {  	_ =	shalt  }
0x75: {  	_ =	shalt  }
0x76: {  	_ =	shalt  }
0x77: {  	_ =	shalt  }
0x78: {  	_ =	shalt  }
0x79: {  	_ =	shalt  }
0x7a: {  	_ =	shalt  }
0x7b: {  	_ =	shalt  }
0x7c: {  	_ =	shalt  }
0x7d: {  	_ =	shalt  }
0x7e: {  	_ =	shalt  }
0x7f: {  	_ =	shalt  }
0x80: {  	_ =	shalt  }
0x81: {  	_ =	shalt  }
0x82: {  	_ =	shalt  }
0x83: {  	_ =	shalt  }
0x84: {  	_ =	shalt  }
0x85: {  	_ =	shalt  }
0x86: {  	_ =	shalt  }
0x87: {  	_ =	shalt  }
.Lfunc_end0:
.L_simem_size_0:
called_computation_lowered:
.L_overlay_start_0:
0x88: {  	s2 =	sld [smem:$0x3FD9]  }
0x89: {  	s3 =	sld [smem:$0x3FFE];
	_ =	sdelay $0x1  }
0x8a: {  	s1 =	srdreg.scid  }
0x8b: {  	s0 =	sand.u32 $0x1, s1  }
0x8c: {  	s17 =	sshll.u32 s0, $0xA;
	s2 =	sadd.s32 s3, s2  }
0x8d: {  	s2 =	sadd.s32 s2, s17  }
0x8e: {  	[smem:$0x3FC7] =	sst s2  }
0x8f: {  	_ = 	snop  }
0x90: {  	s2 =	sld [smem:$0x3FC9]  }
0x91: {  	s18 =	sld [smem:$0x3FD0];
	(tm) =	ssettm $0x1  }
0x92: {  	s4 =	sld [smem:$0x3FFB];
	_ =	sdelay $0x3  }
0x93: {  	_ =	strace s4  }
0x94: {  	s4 =	sld [smem:$0x3FFC];
	_ =	sdelay $0x3  }
0x95: {  	_ =	strace s4  }
0x96: {  	s4 =	sld [smem:$0x3FFD];
	_ =	sdelay $0x3  }
0x97: {  	_ =	strace s4  }
0x98: {  	_ =	strace $0x8FFFFFFF  }
0x99: {  	s19 =	sld [smem:$0x3FDB];
	_ =	sdelay $0x1  }
0x9a: {  	s5 =	simm.s32 $_scs_section_size  }
0x9b: {  	s6 =	simm.s32 $_size__tile_overlayer_lowered;
	s7 =	simm.s32 $_tile_overlayer_lowered  }
0x9c: {  	s22 =	simm.s32 $0x1BFF;
	s21 =	sshll.u32 s7, $0x1;
	s4 =	sadd.s32 s5, s19  }
0x9d: {  	s8 =	simm.s32 $0x0;
	s20 =	sshll.u32 s6, $0x1;
	s6 =	sadd.s32 s21, s4  }
0x9e: {  	[timem:s8], [sflag:s22] =	dma.local [hbm:s6], s20  }
0x9f: {  	_ =	swait.ge [sflag:s22], s20  }
0xa0: {  	s5 =	ssub.s32 $0x0, s20;
	[sflag:s22] =	ssyncset.done $0x0  }
0xa1: {  	[sflag:s22] =	ssyncadd.s32 s5;
	_ =	sdelay $0x1  }
0xa2: {  	s23 =	simm.s32 $0x1B8B  }
0xa3: {  	_ =	swait.ge [sflag:s23], $0x1  }
0xa4: {  	[sflag:s23] =	ssyncset.done $0x0  }
0xa5: {  	s25 =	simm.s32 $0x1B8E;
	s24 =	sld [smem:$0x3FFE];
	[sflag:s23] =	ssyncadd.s32 $0xFFFFFFFF  }
0xa6: {  	s26 =	simm.s32 $execute0_lowered;
	[smem:$0x3FD2] =	sst s25  }
0xa7: {  	s6 =	sshll.u32 s26, $0x1;
	_ =	strace $0x80000046;
	[dreg:$0x1] =	wrdreg $0xFFFFFFFF  }
0xa8: {  	s28 =	simm.s32 $_size_execute0_lowered;
	s4 =	sadd.s32 s4, s6;
	[dreg:$0x0] =	wrdreg $0x0  }
0xa9: {  	s6 =	sshll.u32 s28, $0x1;
	[dreg:$0x2] =	wrdreg s4  }
0xaa: {  	[dreg:$0x3] =	wrdreg s6  }
0xab: {  	[dreg:$0x4] =	wrdreg $0xC0  }
0xac: {  	_ =	task [dreg:s8], $0x5FFFF  }
0xad: {  	[dreg:$0x1] =	wrdreg $0xFFFFFFFF  }
0xae: {  	[dreg:$0x0] =	wrdreg $0x60  }
0xaf: {  	[dreg:$0x2] =	wrdreg s18  }
0xb0: {  	[dreg:$0x3] =	wrdreg s2  }
0xb1: {  	[dreg:$0x4] =	wrdreg s24  }
0xb2: {  	[dreg:$0x5] =	wrdreg $0x9  }
0xb3: {  	_ =	task.clear_ibuf [dreg:s8], $0x6FFFF;
	_ =	strace $0x90000046  }
0xb4: {  	s29 =	simm.s32 $0x9;
	_ =	strace $0x80000048  }
0xb5: {  	_ =	swait.ge [sflag:s29], $0x1  }
0xb6: {  	[sflag:s29] =	ssyncadd.s32 $0xFFFFFFFF  }
0xb7: {  	_ =	strace $0x90000048  }
0xb8: {  	_ =	sfence  }
0xb9: {  	s30 =	sld [smem:$0x0];
	_ =	sdelay $0x2  }
0xba: {  	s31 =	sshll.u32 s1, $0xD;
	s1 =	sshrl.u32 s1, $0x2  }
0xbb: {  	s3 =	sand.u32 $0x4000, s31;
	s1 =	sadd.s32 s1, s30  }
0xbc: {  	s0 =	sor.u32 s3, s0;
	s1 =	sshll.u32 s1, $0x11  }
0xbd: {  	s0 =	sor.u32 s1, s0  }
0xbe: {  	s0 =	sadd.s32 $0x8F2B, s0  }
0xbf: {  	[sflag:s0] =	ssyncadd.remote.s32 $0x1  }
0xc0: {  	_ =	sfence.sel $0xFFFF  }
0xc1: {  	[dreg:$0x0] =	wrdreg $0xFFFFFFFF;
	(pc) =	sbr.abs _section_cstart, $3  }
0xc2: {  	[dreg:$0x1] =	wrdreg $0xFFFFFFFF  }
0xc3: {  	_ =	task.clear_ibuf [dreg:s8], $0x2FFFF;
	_ =	strace $0x9FFFFFFF  }
0xc4: {  	(tm) =	ssettm $0x7FFFFFFF  }
0xc5: {  	_ =	shalt  }
tec
execute0_lowered:
.L_overlay_start_1:
0x0: {  	(tag) =	ssettag $0x1  }
0x1: {  	s0 =	rddreg [dreg:$0x0];
	s1 =	srdreg.scid  }
0x2: {  	s8 =	stileid.u32;
	s2 =	rddreg [dreg:$0x2]  }
0x3: {  	s3 =	simm.s32 $0x0;
	s1 =	sand.u32 $0x1, s1;
	s4 =	sshll.u32 s8, $0x1  }
0x4: {  	[smem:$0x7FF] =	sst s3;
	s2 =	sadd.s32 $0x400, s2;
	s5 =	sor.u32 s1, s4  }
0x5: {  	p0 =	sgt.u32 s8, $0xD;
	s1 =	ssub.s32 $0x2, s1;
	s6 =	smul.u32 $0xE2000, s5  }
0x6: {  	_ =	strace $0x80000047;
	s20 =	sshll.u32 s5, $0x4;
	s5 =	smin.u32 s5, $0x1B  }
0x7: {  	s19 =	sshrl.u32 s1, $0x1;
	s5 =	sshll.u32 s5, $0x9;
	s22 =	sadd.s32 $0xFE780400, s6  }
0x8: {  	s1 =	ssub.s32 s1, s19;
	s24 =	sadd.s32 $0xFE79C800, s6;
	s26 =	sadd.s32 $0xFE7B8C00, s6  }
0x9: {  	s7 =	sadd.s32 $0xFE764000, s6;
	s9 =	sadd.s32 $0xFE7D5000, s6;
	s11 =	sadd.s32 $0xFE7F1400, s6  }
0xa: {  	s4 =	sadd.s32 s0, s20;
	s13 =	sadd.s32 $0xFE80D800, s6;
	s14 =	sadd.s32 $0xFE829C00, s6  }
0xb: {  	s21 =	sshrl.u32 s7, $0x3;
	s23 =	sshrl.u32 s22, $0x3;
	s25 =	sshrl.u32 s24, $0x3  }
0xc: {  	s7 =	sshrl.u32 s26, $0x3;
	s10 =	sshrl.u32 s9, $0x3;
	s12 =	sshrl.u32 s11, $0x3  }
0xd: {  	s15 =	sshrl.u32 s13, $0x3;
	s13 =	sadd.s32 s2, s5;
	s0 =	sadd.s32 s2, s21  }
0xe: {  	s6 =	sadd.s32 s2, s15;
	s16 =	sadd.s32 $0x3880, s13;
	[dreg:$0x4] =	wrdreg s0  }
0xf: {  	s17 =	sadd.s32 $0x7100, s13;
	s18 =	sadd.s32 $0xA980, s13;
	[dreg:$0xa] =	wrdreg s6  }
0x10: {  	s19 =	sadd.s32 $0xE200, s13;
	s20 =	sadd.s32 $0x11A80, s13;
	[dreg:$0xc] =	wrdreg s16  }
0x11: {  	s21 =	sadd.s32 $0x15300, s13;
	s22 =	sadd.s32 $0x18B80, s13;
	[dreg:$0xd] =	wrdreg s17  }
0x12: {  	s24 =	sadd.s32 $0x1FC80, s13;
	s26 =	sadd.s32 $0x26D80, s13;
	[dreg:$0xe] =	wrdreg s18  }
0x13: {  	s28 =	sadd.s32 $0x2DE80, s13;
	s29 =	sadd.s32 $0x31700, s13;
	[dreg:$0xf] =	wrdreg s19  }
0x14: {  	s30 =	sadd.s32 $0x34F80, s13;
	s31 =	sadd.s32 $0x38800, s13;
	[dreg:$0x10] =	wrdreg s20  }
0x15: {  	s5 =	sadd.s32 $0x46A00, s13;
	s8 =	sadd.s32 $0x51380, s13;
	[dreg:$0x11] =	wrdreg s21  }
0x16: {  	s9 =	sadd.s32 $0x54C00, s13;
	s11 =	sadd.s32 $0x5BD00, s13;
	[dreg:$0x12] =	wrdreg s22  }
0x17: {  	s15 =	sadd.s32 $0x66680, s13;
	s0 =	sadd.s32 s2, s23;
	[dreg:$0x14] =	wrdreg s24  }
0x18: {  	s23 =	sadd.s32 $0x1C400, s13;
	[dreg:$0x16] =	wrdreg s26;
	s26 =	sadd.s32 $0x2A600, s13  }
0x19: {  	s6 =	sadd.s32 $0x4A280, s13;
	s16 =	sadd.s32 $0x69F00, s13;
	s17 =	sadd.s32 $0x6D780, s13  }
0x1a: {  	s18 =	simm.s32 $0x3;
	s19 =	simm.s32 $0x28;
	s20 =	simm.s32 $0x80  }
0x1b: {  	s21 =	simm.s32 $0x1;
	s22 =	simm.s32 $0x2;
	[dreg:$0x5] =	wrdreg s0  }
0x1c: {  	s0 =	sadd.s32 s2, s25;
	[dreg:$0x13] =	wrdreg s23;
	s25 =	sadd.s32 $0x23500, s13  }
0x1d: {  	s23 =	simm.s32 $0x1080;
	[dreg:$0x6] =	wrdreg s0;
	s0 =	sadd.s32 s2, s7  }
0x1e: {  	[dreg:$0x15] =	wrdreg s25;
	s25 =	smax.u32 s1, $0x1;
	s1 =	sadd.s32 $0x3C080, s13  }
.Ltmp0:
0x1f: {  	[dreg:$0x7] =	wrdreg s0;
	s0 =	sadd.s32 s2, s10;
	(pc) =	sbr.rel .LBB2_1-.Ltmp0, $4  }
0x20: {  	s7 =	sadd.s32 $0x4DB00, s13;
	[dreg:$0x8] =	wrdreg s0;
	s0 =	sadd.s32 s2, s12  }
0x21: {  	s10 =	sadd.s32 $0x58480, s13;
	[dreg:$0x9] =	wrdreg s0;
	s0 =	sshrl.u32 s14, $0x3  }
0x22: {  	s12 =	sadd.s32 $0x5F580, s13;
	s14 =	sadd.s32 $0x62E00, s13;
	s0 =	sadd.s32 s2, s0  }
0x23: {  	s2 =	sadd.s32 $0x43180, s13;
	[dreg:$0xb] =	wrdreg s0;
	s0 =	sadd.s32 $0x3F900, s13  }
.LBB2_3:
0x24: {  	s24 =	rddreg [dreg:$0x4]  }
0x25: {  	[hbm4b:s24+s3] =	stream.linear.scatter [tilespmem:s23], [sflag:$0x2], $0x100, $0x38;
	[tilespmem:$0x1480] =	vst v63  }
0x26: {  	s24 =	rddreg [dreg:$0x5]  }
0x27: {  	[hbm4b:s24+s3] =	stream.linear.scatter [tilespmem:s23], [sflag:$0x2], $0x100, $0x38;
	[tilespmem:$0x1480] =	vst v63  }
0x28: {  	s24 =	rddreg [dreg:$0x6]  }
0x29: {  	[hbm4b:s24+s3] =	stream.linear.scatter [tilespmem:s23], [sflag:$0x2], $0x100, $0x38;
	[tilespmem:$0x1480] =	vst v63  }
0x2a: {  	s24 =	rddreg [dreg:$0x7]  }
0x2b: {  	[hbm4b:s24+s3] =	stream.linear.scatter [tilespmem:s23], [sflag:$0x2], $0x100, $0x38;
	[tilespmem:$0x1480] =	vst v63  }
0x2c: {  	s24 =	rddreg [dreg:$0x8]  }
0x2d: {  	[hbm4b:s24+s3] =	stream.linear.scatter [tilespmem:s23], [sflag:$0x2], $0x100, $0x38;
	[tilespmem:$0x1480] =	vst v63  }
0x2e: {  	s24 =	rddreg [dreg:$0x9]  }
0x2f: {  	[hbm4b:s24+s3] =	stream.linear.scatter [tilespmem:s23], [sflag:$0x2], $0x100, $0x38;
	[tilespmem:$0x1480] =	vst v63  }
0x30: {  	s24 =	rddreg [dreg:$0xa]  }
0x31: {  	[hbm4b:s24+s3] =	stream.linear.scatter [tilespmem:s23], [sflag:$0x2], $0x100, $0x38;
	[tilespmem:$0x1480] =	vst v63  }
0x32: {  	s24 =	rddreg [dreg:$0xb]  }
0x33: {  	[hbm4b:s24+s3] =	stream.linear.scatter [tilespmem:s23], [sflag:$0x2], $0x100, $0x38;
	[tilespmem:$0x1480] =	vst v63  }
0x34: {  	_ =	swait.ge [sflag:s22], $0x100  }
0x35: {  	[sflag:s22] =	ssyncset.done $0x0  }
0x36: {  	[sflag:s22] =	ssyncadd.s32 $0xFFFFFF00  }
0x37: {  	_ =	swait.ge [sflag:s22], $0x100  }
0x38: {  	[sflag:s22] =	ssyncset.done $0x0  }
0x39: {  	[sflag:s22] =	ssyncadd.s32 $0xFFFFFF00  }
0x3a: {  	_ =	swait.ge [sflag:s22], $0x100  }
0x3b: {  	[sflag:s22] =	ssyncset.done $0x0  }
0x3c: {  	[sflag:s22] =	ssyncadd.s32 $0xFFFFFF00  }
0x3d: {  	_ =	swait.ge [sflag:s22], $0x100  }
0x3e: {  	[sflag:s22] =	ssyncset.done $0x0  }
0x3f: {  	[sflag:s22] =	ssyncadd.s32 $0xFFFFFF00  }
0x40: {  	_ =	swait.ge [sflag:s22], $0x100  }
0x41: {  	[sflag:s22] =	ssyncset.done $0x0  }
0x42: {  	[sflag:s22] =	ssyncadd.s32 $0xFFFFFF00  }
0x43: {  	_ =	swait.ge [sflag:s22], $0x100  }
0x44: {  	[sflag:s22] =	ssyncset.done $0x0  }
0x45: {  	[sflag:s22] =	ssyncadd.s32 $0xFFFFFF00  }
0x46: {  	_ =	swait.ge [sflag:s22], $0x100  }
0x47: {  	[sflag:s22] =	ssyncset.done $0x0  }
0x48: {  	[sflag:s22] =	ssyncadd.s32 $0xFFFFFF00  }
0x49: {  	_ =	swait.ge [sflag:s22], $0x100  }
0x4a: {  	[sflag:s22] =	ssyncset.done $0x0  }
0x4b: {  	[sflag:s22] =	ssyncadd.s32 $0xFFFFFF00  }
.LBB2_4:
0x4c: {  	s25 =	sadd.s32 $0xFFFFFFFF, s25  }
0x4d: {  	p1 =	sne.s32 s25, $0x0  }
.Ltmp1:
0x4e: {  	_ = 	snop;
	(pc) =	sbr.rel @!p1 .LBB2_5-.Ltmp1, $1  }
0x4f: {  	_ =	sdelay $0x3  }
.LBB2_1:
0x50: {  	[tilespmem:s3], [sflag:$0x3] =	stream.linear.gather [hbm4b:s4+s3], $0x80, $0x38;
	[tilespmem:$0x1480] =	vst v63  }
0x51: {  	_ =	swait.ge [sflag:s18], $0x80  }
0x52: {  	[sflag:s18] =	ssyncset.done $0x0  }
0x53: {  	[sflag:s18] =	ssyncadd.s32 $0xFFFFFF80  }
.Ltmp2:
0x54: {  	s24 =	rddreg [dreg:$0x1];
	(pc) =	sbr.rel @p0 .LBB2_3-.Ltmp2, $4  }
0x55: {  	[tilespmem:s20], [sflag:$0x1] =	stream.indirect.gather [hbm4b:s24+s19], $0x80, s3, s19, $0xb8;
	[tilespmem:$0x1480] =	vst v63  }
0x56: {  	_ =	swait.ge [sflag:s21], $0x1400  }
0x57: {  	[sflag:s21] =	ssyncset.done $0x0  }
0x58: {  	[sflag:s21] =	ssyncadd.s32 $0xFFFFEC00  }
0x59: {  	[hbm4b:s13+s3] =	stream.linear.scatter [tilespmem:s20], [sflag:$0x2], $0x1000, $0x38;
	[tilespmem:$0x1480] =	vst v63  }
0x5a: {  	s24 =	rddreg [dreg:$0xc]  }
0x5b: {  	[hbm4b:s24+s3] =	stream.linear.scatter [tilespmem:s20], [sflag:$0x2], $0x1000, $0x38;
	[tilespmem:$0x1480] =	vst v63  }
0x5c: {  	s24 =	rddreg [dreg:$0xd]  }
0x5d: {  	[hbm4b:s24+s3] =	stream.linear.scatter [tilespmem:s20], [sflag:$0x2], $0x1000, $0x38;
	[tilespmem:$0x1480] =	vst v63  }
0x5e: {  	s24 =	rddreg [dreg:$0xe]  }
0x5f: {  	[hbm4b:s24+s3] =	stream.linear.scatter [tilespmem:s20], [sflag:$0x2], $0x1000, $0x38;
	[tilespmem:$0x1480] =	vst v63  }
0x60: {  	s24 =	rddreg [dreg:$0xf]  }
0x61: {  	[hbm4b:s24+s3] =	stream.linear.scatter [tilespmem:s20], [sflag:$0x2], $0x1000, $0x38;
	[tilespmem:$0x1480] =	vst v63  }
0x62: {  	s24 =	rddreg [dreg:$0x10]  }
0x63: {  	[hbm4b:s24+s3] =	stream.linear.scatter [tilespmem:s20], [sflag:$0x2], $0x1000, $0x38;
	[tilespmem:$0x1480] =	vst v63  }
0x64: {  	s24 =	rddreg [dreg:$0x11]  }
0x65: {  	[hbm4b:s24+s3] =	stream.linear.scatter [tilespmem:s20], [sflag:$0x2], $0x1000, $0x38;
	[tilespmem:$0x1480] =	vst v63  }
0x66: {  	s24 =	rddreg [dreg:$0x12]  }
0x67: {  	[hbm4b:s24+s3] =	stream.linear.scatter [tilespmem:s20], [sflag:$0x2], $0x1000, $0x38;
	[tilespmem:$0x1480] =	vst v63  }
0x68: {  	s24 =	rddreg [dreg:$0x13]  }
0x69: {  	[hbm4b:s24+s3] =	stream.linear.scatter [tilespmem:s20], [sflag:$0x2], $0x1000, $0x38;
	[tilespmem:$0x1480] =	vst v63  }
0x6a: {  	s24 =	rddreg [dreg:$0x14]  }
0x6b: {  	[hbm4b:s24+s3] =	stream.linear.scatter [tilespmem:s20], [sflag:$0x2], $0x1000, $0x38;
	[tilespmem:$0x1480] =	vst v63  }
0x6c: {  	s24 =	rddreg [dreg:$0x15]  }
0x6d: {  	[hbm4b:s24+s3] =	stream.linear.scatter [tilespmem:s20], [sflag:$0x2], $0x1000, $0x38;
	[tilespmem:$0x1480] =	vst v63  }
0x6e: {  	s24 =	rddreg [dreg:$0x16]  }
0x6f: {  	[hbm4b:s24+s3] =	stream.linear.scatter [tilespmem:s20], [sflag:$0x2], $0x1000, $0x38;
	[tilespmem:$0x1480] =	vst v63  }
0x70: {  	_ = 	snop  }
0x71: {  	[hbm4b:s26+s3] =	stream.linear.scatter [tilespmem:s20], [sflag:$0x2], $0x1000, $0x38;
	[tilespmem:$0x1480] =	vst v63  }
0x72: {  	_ = 	snop  }
0x73: {  	[hbm4b:s28+s3] =	stream.linear.scatter [tilespmem:s20], [sflag:$0x2], $0x1000, $0x38;
	[tilespmem:$0x1480] =	vst v63  }
0x74: {  	_ = 	snop  }
0x75: {  	[hbm4b:s29+s3] =	stream.linear.scatter [tilespmem:s20], [sflag:$0x2], $0x1000, $0x38;
	[tilespmem:$0x1480] =	vst v63  }
0x76: {  	_ = 	snop  }
0x77: {  	[hbm4b:s30+s3] =	stream.linear.scatter [tilespmem:s20], [sflag:$0x2], $0x1000, $0x38;
	[tilespmem:$0x1480] =	vst v63  }
0x78: {  	_ = 	snop  }
0x79: {  	[hbm4b:s31+s3] =	stream.linear.scatter [tilespmem:s20], [sflag:$0x2], $0x1000, $0x38;
	[tilespmem:$0x1480] =	vst v63  }
0x7a: {  	_ = 	snop  }
0x7b: {  	[hbm4b:s1+s3] =	stream.linear.scatter [tilespmem:s20], [sflag:$0x2], $0x1000, $0x38;
	[tilespmem:$0x1480] =	vst v63  }
0x7c: {  	_ = 	snop  }
0x7d: {  	[hbm4b:s0+s3] =	stream.linear.scatter [tilespmem:s20], [sflag:$0x2], $0x1000, $0x38;
	[tilespmem:$0x1480] =	vst v63  }
0x7e: {  	_ = 	snop  }
0x7f: {  	[hbm4b:s2+s3] =	stream.linear.scatter [tilespmem:s20], [sflag:$0x2], $0x1000, $0x38;
	[tilespmem:$0x1480] =	vst v63  }
0x80: {  	_ = 	snop  }
0x81: {  	[hbm4b:s5+s3] =	stream.linear.scatter [tilespmem:s20], [sflag:$0x2], $0x1000, $0x38;
	[tilespmem:$0x1480] =	vst v63  }
0x82: {  	_ = 	snop  }
0x83: {  	[hbm4b:s6+s3] =	stream.linear.scatter [tilespmem:s20], [sflag:$0x2], $0x1000, $0x38;
	[tilespmem:$0x1480] =	vst v63  }
0x84: {  	_ = 	snop  }
0x85: {  	[hbm4b:s7+s3] =	stream.linear.scatter [tilespmem:s20], [sflag:$0x2], $0x1000, $0x38;
	[tilespmem:$0x1480] =	vst v63  }
0x86: {  	_ = 	snop  }
0x87: {  	[hbm4b:s8+s3] =	stream.linear.scatter [tilespmem:s20], [sflag:$0x2], $0x1000, $0x38;
	[tilespmem:$0x1480] =	vst v63  }
0x88: {  	_ = 	snop  }
0x89: {  	[hbm4b:s9+s3] =	stream.linear.scatter [tilespmem:s20], [sflag:$0x2], $0x1000, $0x38;
	[tilespmem:$0x1480] =	vst v63  }
0x8a: {  	_ = 	snop  }
0x8b: {  	[hbm4b:s10+s3] =	stream.linear.scatter [tilespmem:s20], [sflag:$0x2], $0x1000, $0x38;
	[tilespmem:$0x1480] =	vst v63  }
0x8c: {  	_ = 	snop  }
0x8d: {  	[hbm4b:s11+s3] =	stream.linear.scatter [tilespmem:s20], [sflag:$0x2], $0x1000, $0x38;
	[tilespmem:$0x1480] =	vst v63  }
0x8e: {  	_ = 	snop  }
0x8f: {  	[hbm4b:s12+s3] =	stream.linear.scatter [tilespmem:s20], [sflag:$0x2], $0x1000, $0x38;
	[tilespmem:$0x1480] =	vst v63  }
0x90: {  	_ = 	snop  }
0x91: {  	[hbm4b:s14+s3] =	stream.linear.scatter [tilespmem:s20], [sflag:$0x2], $0x1000, $0x38;
	[tilespmem:$0x1480] =	vst v63  }
0x92: {  	_ = 	snop  }
0x93: {  	[hbm4b:s15+s3] =	stream.linear.scatter [tilespmem:s20], [sflag:$0x2], $0x1000, $0x38;
	[tilespmem:$0x1480] =	vst v63  }
0x94: {  	_ = 	snop  }
0x95: {  	[hbm4b:s16+s3] =	stream.linear.scatter [tilespmem:s20], [sflag:$0x2], $0x1000, $0x38;
	[tilespmem:$0x1480] =	vst v63  }
0x96: {  	_ = 	snop  }
0x97: {  	[hbm4b:s17+s3] =	stream.linear.scatter [tilespmem:s20], [sflag:$0x2], $0x1000, $0x38;
	[tilespmem:$0x1480] =	vst v63  }
0x98: {  	_ =	swait.ge [sflag:s22], $0x1000  }
0x99: {  	[sflag:s22] =	ssyncset.done $0x0  }
0x9a: {  	[sflag:s22] =	ssyncadd.s32 $0xFFFFF000  }
0x9b: {  	_ =	swait.ge [sflag:s22], $0x1000  }
0x9c: {  	[sflag:s22] =	ssyncset.done $0x0  }
0x9d: {  	[sflag:s22] =	ssyncadd.s32 $0xFFFFF000  }
0x9e: {  	_ =	swait.ge [sflag:s22], $0x1000  }
0x9f: {  	[sflag:s22] =	ssyncset.done $0x0  }
0xa0: {  	[sflag:s22] =	ssyncadd.s32 $0xFFFFF000  }
0xa1: {  	_ =	swait.ge [sflag:s22], $0x1000  }
0xa2: {  	[sflag:s22] =	ssyncset.done $0x0  }
0xa3: {  	[sflag:s22] =	ssyncadd.s32 $0xFFFFF000  }
0xa4: {  	_ =	swait.ge [sflag:s22], $0x1000  }
0xa5: {  	[sflag:s22] =	ssyncset.done $0x0  }
0xa6: {  	[sflag:s22] =	ssyncadd.s32 $0xFFFFF000  }
0xa7: {  	_ =	swait.ge [sflag:s22], $0x1000  }
0xa8: {  	[sflag:s22] =	ssyncset.done $0x0  }
0xa9: {  	[sflag:s22] =	ssyncadd.s32 $0xFFFFF000  }
0xaa: {  	_ =	swait.ge [sflag:s22], $0x1000  }
0xab: {  	[sflag:s22] =	ssyncset.done $0x0  }
0xac: {  	[sflag:s22] =	ssyncadd.s32 $0xFFFFF000  }
0xad: {  	_ =	swait.ge [sflag:s22], $0x1000  }
0xae: {  	[sflag:s22] =	ssyncset.done $0x0  }
0xaf: {  	[sflag:s22] =	ssyncadd.s32 $0xFFFFF000  }
0xb0: {  	_ =	swait.ge [sflag:s22], $0x1000  }
0xb1: {  	[sflag:s22] =	ssyncset.done $0x0  }
0xb2: {  	[sflag:s22] =	ssyncadd.s32 $0xFFFFF000  }
0xb3: {  	_ =	swait.ge [sflag:s22], $0x1000  }
0xb4: {  	[sflag:s22] =	ssyncset.done $0x0  }
0xb5: {  	[sflag:s22] =	ssyncadd.s32 $0xFFFFF000  }
0xb6: {  	_ =	swait.ge [sflag:s22], $0x1000  }
0xb7: {  	[sflag:s22] =	ssyncset.done $0x0  }
0xb8: {  	[sflag:s22] =	ssyncadd.s32 $0xFFFFF000  }
0xb9: {  	_ =	swait.ge [sflag:s22], $0x1000  }
0xba: {  	[sflag:s22] =	ssyncset.done $0x0  }
0xbb: {  	[sflag:s22] =	ssyncadd.s32 $0xFFFFF000  }
0xbc: {  	_ =	swait.ge [sflag:s22], $0x1000  }
0xbd: {  	[sflag:s22] =	ssyncset.done $0x0  }
0xbe: {  	[sflag:s22] =	ssyncadd.s32 $0xFFFFF000  }
0xbf: {  	_ =	swait.ge [sflag:s22], $0x1000  }
0xc0: {  	[sflag:s22] =	ssyncset.done $0x0  }
0xc1: {  	[sflag:s22] =	ssyncadd.s32 $0xFFFFF000  }
0xc2: {  	_ =	swait.ge [sflag:s22], $0x1000  }
0xc3: {  	[sflag:s22] =	ssyncset.done $0x0  }
0xc4: {  	[sflag:s22] =	ssyncadd.s32 $0xFFFFF000  }
0xc5: {  	_ =	swait.ge [sflag:s22], $0x1000  }
0xc6: {  	[sflag:s22] =	ssyncset.done $0x0  }
0xc7: {  	[sflag:s22] =	ssyncadd.s32 $0xFFFFF000  }
0xc8: {  	_ =	swait.ge [sflag:s22], $0x1000  }
0xc9: {  	[sflag:s22] =	ssyncset.done $0x0  }
0xca: {  	[sflag:s22] =	ssyncadd.s32 $0xFFFFF000  }
0xcb: {  	_ =	swait.ge [sflag:s22], $0x1000  }
0xcc: {  	[sflag:s22] =	ssyncset.done $0x0  }
0xcd: {  	[sflag:s22] =	ssyncadd.s32 $0xFFFFF000  }
0xce: {  	_ =	swait.ge [sflag:s22], $0x1000  }
0xcf: {  	[sflag:s22] =	ssyncset.done $0x0  }
0xd0: {  	[sflag:s22] =	ssyncadd.s32 $0xFFFFF000  }
0xd1: {  	_ =	swait.ge [sflag:s22], $0x1000  }
0xd2: {  	[sflag:s22] =	ssyncset.done $0x0  }
0xd3: {  	[sflag:s22] =	ssyncadd.s32 $0xFFFFF000  }
0xd4: {  	_ =	swait.ge [sflag:s22], $0x1000  }
0xd5: {  	[sflag:s22] =	ssyncset.done $0x0  }
0xd6: {  	[sflag:s22] =	ssyncadd.s32 $0xFFFFF000  }
0xd7: {  	_ =	swait.ge [sflag:s22], $0x1000  }
0xd8: {  	[sflag:s22] =	ssyncset.done $0x0  }
0xd9: {  	[sflag:s22] =	ssyncadd.s32 $0xFFFFF000  }
0xda: {  	_ =	swait.ge [sflag:s22], $0x1000  }
0xdb: {  	[sflag:s22] =	ssyncset.done $0x0  }
0xdc: {  	[sflag:s22] =	ssyncadd.s32 $0xFFFFF000  }
0xdd: {  	_ =	swait.ge [sflag:s22], $0x1000  }
0xde: {  	[sflag:s22] =	ssyncset.done $0x0  }
0xdf: {  	[sflag:s22] =	ssyncadd.s32 $0xFFFFF000  }
0xe0: {  	_ =	swait.ge [sflag:s22], $0x1000  }
0xe1: {  	[sflag:s22] =	ssyncset.done $0x0  }
0xe2: {  	[sflag:s22] =	ssyncadd.s32 $0xFFFFF000  }
0xe3: {  	_ =	swait.ge [sflag:s22], $0x1000  }
0xe4: {  	[sflag:s22] =	ssyncset.done $0x0  }
0xe5: {  	[sflag:s22] =	ssyncadd.s32 $0xFFFFF000  }
0xe6: {  	_ =	swait.ge [sflag:s22], $0x1000  }
0xe7: {  	[sflag:s22] =	ssyncset.done $0x0  }
0xe8: {  	[sflag:s22] =	ssyncadd.s32 $0xFFFFF000  }
0xe9: {  	_ =	swait.ge [sflag:s22], $0x1000  }
0xea: {  	[sflag:s22] =	ssyncset.done $0x0  }
0xeb: {  	[sflag:s22] =	ssyncadd.s32 $0xFFFFF000  }
0xec: {  	_ =	swait.ge [sflag:s22], $0x1000  }
0xed: {  	[sflag:s22] =	ssyncset.done $0x0  }
0xee: {  	[sflag:s22] =	ssyncadd.s32 $0xFFFFF000  }
0xef: {  	_ =	swait.ge [sflag:s22], $0x1000  }
0xf0: {  	[sflag:s22] =	ssyncset.done $0x0  }
0xf1: {  	[sflag:s22] =	ssyncadd.s32 $0xFFFFF000  }
0xf2: {  	_ =	swait.ge [sflag:s22], $0x1000  }
.Ltmp3:
0xf3: {  	[sflag:s22] =	ssyncset.done $0x0;
	(pc) =	sbr.rel .LBB2_4-.Ltmp3, $4  }
0xf4: {  	[sflag:s22] =	ssyncadd.s32 $0xFFFFF000  }
0xf5: {  	_ =	swait.ge [sflag:s22], $0x1000  }
0xf6: {  	[sflag:s22] =	ssyncset.done $0x0  }
0xf7: {  	[sflag:s22] =	ssyncadd.s32 $0xFFFFF000  }
.LBB2_5:
0xf8: {  	_ =	sfence.sel $0x180000  }
0xf9: {  	[bflag:$0x0] =	sbarrier.arrive $0xFFFF  }
0xfa: {  	_ =	strace $0x90000047  }
0xfb: {  	s0 =	stileid.u32;
	[bflag:$0x2] =	sbarrier.arrive $0xFFFF  }
0xfc: {  	p0 =	sne.s32 s0, $0x0;
	s0 =	rddreg [dreg:$0x3]  }
0xfd: {  	s0 =	sadd.s32 @!p0 $0x100000, s0  }
0xfe: {  	[sflag:s0] =	ssyncadd.tile.s32 @!p0 $0x1;
	_ =	shalt  }
.Lfunc_end2:
_tile_overlayer_lowered:
.L_overlay_start_2:
0xff: {  	(tag) =	ssettag $0x2  }
0x100: {  	s0 =	rddreg [dreg:$0x0];
	s2 =	stileid.u32  }
0x101: {  	s1 =	rddreg [dreg:$0x1];
	p0 =	sne.s32 s2, $0x0  }
0x102: {  	s3 =	rddreg [dreg:$0x2];
	[bflag:$0x3] =	sbarrier.arrive $0xFFFF;
	s2 =	simm.s32 @!p0 $0x1C03  }
0x103: {  	[timem:s3], [sflag:s2] =	dma.local @!p0 [hbm:s0], s1  }
0x104: {  	s0 =	simm.s32 @!p0 $0x3  }
0x105: {  	_ =	swait.ge @!p0 [sflag:s0], s1  }
0x106: {  	s1 =	ssub.s32 @!p0 $0x0, s1;
	[sflag:s0] =	ssyncset.done @!p0 $0x0  }
0x107: {  	[sflag:s0] =	ssyncadd.s32 @!p0 s1  }
0x108: {  	[bflag:$0x3] =	sbarrier.arrive $0xFFFF  }
0x109: {  	_ =	shalt  }

</sc_bundles>
